<compile_context>
chip_gen: v7x
topology: tpu7x:2x2x1
jax: 0.10.2.dev20260603
libtpu: 0.0.44.dev20260713+nightly
codegen_flags: <defaults>
</compile_context>

<pallas_src>
import functools

import jax
import jax.numpy as jnp
from jax import lax
from jax.experimental import pallas as pl
from jax.experimental.pallas import tpu as pltpu
from jax.experimental.pallas import tpu_sc as plsc

NUM_CORES = 2
NUM_SUBCORES = 16
NW = NUM_CORES * NUM_SUBCORES
LANES = 16
SUB = 8
LANE = 128


def kernel(x, token_table, pos_table):
    B, L = x.shape
    V, D = token_table.shape
    BW = B // NW
    LP = ((L + LANE - 1) // LANE) * LANE
    LT = LP // LANE
    BT = BW // SUB
    assert B % NW == 0 and BW == LANE and L % 2 == 0 and D % SUB == 0
    BG = BW // LANES
    DT = D // SUB

    mesh = plsc.VectorSubcoreMesh(core_axis_name="c", subcore_axis_name="s")

    @functools.partial(
        pl.kernel,
        out_type=jax.ShapeDtypeStruct((L, DT, NW, SUB, LANE), jnp.float32),
        mesh=mesh,
        scratch_types=[
            pltpu.VMEM((BT, LT, SUB, LANE), jnp.int32),
            pltpu.VMEM((2, BW), jnp.int32),
            pltpu.VMEM((L, D), jnp.float32),
            pltpu.VMEM((BW, D), jnp.float32),
            pltpu.VMEM((BW, D), jnp.float32),
            pltpu.VMEM((DT, 1, SUB, LANE), jnp.float32),
            pltpu.VMEM((DT, 1, SUB, LANE), jnp.float32),
            pltpu.SemaphoreType.DMA,
            pltpu.SemaphoreType.DMA,
            pltpu.SemaphoreType.DMA,
            pltpu.SemaphoreType.DMA,
        ],
        compiler_params=pltpu.CompilerParams(
            use_tc_tiling_on_sc=False, needs_layout_passes=False
        ),
    )
    def emb_kernel(xt_hbm, tok_hbm, pos_hbm, out_hbm,
                   idx_raw, idx_row, pos_v, in0, in1, t0, t1,
                   gsem0, gsem1, wsem0, wsem1):
        wid = lax.axis_index("s") * NUM_CORES + lax.axis_index("c")
        iota = lax.iota(jnp.int32, LANES)
        inbuf = (in0, in1)
        tbuf = (t0, t1)
        gsem = (gsem0, gsem1)
        wsem = (wsem0, wsem1)

        pltpu.sync_copy(pos_hbm, pos_v)
        pltpu.sync_copy(xt_hbm.at[pl.ds(wid * BT, BT)], idx_raw)

        rt = [iota // SUB + jnp.int32(g * (LANES // SUB)) for g in range(BG)]
        rr = iota % SUB

        def fire_gather(l, b):
            ct = jnp.full((LANES,), l // LANE, jnp.int32)
            cc = jnp.full((LANES,), l % LANE, jnp.int32)
            for g in range(BG):
                idx_row[b, pl.ds(g * LANES, LANES)] = plsc.load_gather(
                    idx_raw, [rt[g], ct, rr, cc]
                )
            pltpu.async_copy(tok_hbm.at[idx_row.at[b]], inbuf[b], gsem[b])

        def wait_gather(b):
            pltpu.make_async_copy(tok_hbm.at[pl.ds(0, BW)], inbuf[b], gsem[b]).wait()

        def transpose_add(l, b):
            src = inbuf[b]
            dst = tbuf[b]
            rowbase = [iota + jnp.int32(g * LANES) for g in range(BG)]
            lrows = jnp.full((LANES,), l, jnp.int32)

            @plsc.parallel_loop(0, D, unroll=2)
            def d_body(d):
                cols = jnp.full((LANES,), d, jnp.int32)
                pv = plsc.load_gather(pos_v, [lrows, cols])
                dt = d // SUB
                dr = d % SUB
                for g in range(BG):
                    v = plsc.load_gather(src, [rowbase[g], cols])
                    dst[dt, 0, dr, pl.ds(g * LANES, LANES)] = v + pv

        def fire_writeback(l, b):
            pltpu.async_copy(
                tbuf[b], out_hbm.at[l, :, pl.ds(wid, 1)], wsem[b]
            )

        def wait_writeback(b):
            pltpu.make_async_copy(
                tbuf[b], out_hbm.at[0, :, pl.ds(wid, 1)], wsem[b]
            ).wait()

        fire_gather(0, 0)
        fire_gather(1, 1)

        def pair_body(p, carry):
            l0 = 2 * p
            wait_gather(0)
            transpose_add(l0, 0)
            fire_writeback(l0, 0)
            wait_gather(1)
            transpose_add(l0 + 1, 1)
            fire_writeback(l0 + 1, 1)

            @pl.when(l0 + 2 < L)
            def _():
                wait_writeback(0)
                fire_gather(l0 + 2, 0)
                wait_writeback(1)
                fire_gather(l0 + 3, 1)

            return carry

        lax.fori_loop(0, L // 2, pair_body, 0)
        wait_writeback(0)
        wait_writeback(1)

    xp = jnp.pad(x.astype(jnp.int32), ((0, 0), (0, LP - L)))
    xt4 = xp.reshape(B // SUB, SUB, LT, LANE).transpose(0, 2, 1, 3)
    out5 = emb_kernel(xt4, token_table, pos_table)
    out = out5.transpose(0, 1, 3, 2, 4).reshape(L, D, B)
    return jnp.transpose(out, (2, 0, 1))

# --- scband reference (transcript-rebuilt; emitter-appended) ---
"""Pipeline reference for scband-token-embedder-32031866093609 (READ-ONLY COPY).

The authoritative reference and input builder live on the scoring server;
editing this copy changes nothing except your own understanding.
"""

import jax, jax.numpy as jnp
import numpy as np

VOCAB = 100000
D_MODEL = 64
MAX_LEN = 200
BATCH = 4096
SEQ = 200

def setup_inputs(seed: int = 0) -> dict:
    key = jax.random.key(seed)
    k1, k2, k3 = jax.random.split(key, 3)
    x = jax.random.randint(k1, (BATCH, SEQ), 0, VOCAB, dtype=jnp.int64 if jax.config.jax_enable_x64 else jnp.int32)
    token_table = jax.random.normal(k2, (VOCAB, D_MODEL), dtype=jnp.float32) * 0.02
    pos_table = jax.random.normal(k3, (MAX_LEN, D_MODEL), dtype=jnp.float32) * 0.02
    return {"x": x, "token_table": token_table, "pos_table": pos_table}

def reference(x, token_table, pos_table):
    seq_len = x.shape[1]
    pos = jnp.arange(seq_len)
    tok_emb = jnp.take(token_table, x, axis=0)           # [B, L, D]
    pos_emb = jnp.take(pos_table, pos, axis=0)           # [L, D]
    return tok_emb + pos_emb[None, :, :]

if __name__ == "__main__":
    import jax
    _d = setup_inputs()
    print(jax.jit(kernel)(*tuple(_d.values())))

</pallas_src>

<mosaic_0001>
#map = affine_map<(d0, d1) -> (0, 0, 0, 0)>
#map1 = affine_map<(d0, d1) -> (0, 0)>
#map2 = affine_map<(d0, d1) -> (0, 0, 0, 0, 0)>
module attributes {stable_mosaic.version = 14 : i64} {
  func.func @emb_kernel(%arg0: i32, %arg1: i32, %arg2: memref<512x2x8x128xi32, #tpu.memory_space<hbm>>, %arg3: memref<100000x64xf32, #tpu.memory_space<hbm>>, %arg4: memref<200x64xf32, #tpu.memory_space<hbm>>, %arg5: memref<200x8x32x8x128xf32, #tpu.memory_space<hbm>>, %arg6: memref<16x2x8x128xi32, #tpu.memory_space<vmem>>, %arg7: memref<2x128xi32, #tpu.memory_space<vmem>>, %arg8: memref<200x64xf32, #tpu.memory_space<vmem>>, %arg9: memref<128x64xf32, #tpu.memory_space<vmem>>, %arg10: memref<128x64xf32, #tpu.memory_space<vmem>>, %arg11: memref<8x1x8x128xf32, #tpu.memory_space<vmem>>, %arg12: memref<8x1x8x128xf32, #tpu.memory_space<vmem>>, %arg13: memref<!tpu.dma_semaphore, #tpu.memory_space<semaphore_mem>>, %arg14: memref<!tpu.dma_semaphore, #tpu.memory_space<semaphore_mem>>, %arg15: memref<!tpu.dma_semaphore, #tpu.memory_space<semaphore_mem>>, %arg16: memref<!tpu.dma_semaphore, #tpu.memory_space<semaphore_mem>>) attributes {dimension_semantics = [#tpu.dimension_semantics<core_parallel>, #tpu.dimension_semantics<subcore_parallel>], iteration_bounds = array<i64: 2, 16>, scalar_prefetch = 0 : i64, scratch_operands = 11 : i64, tpu.core_type = #tpu.core_type<sc_vector_subcore>, window_params = [{transform_indices = #map}, {transform_indices = #map1}, {transform_indices = #map1}, {transform_indices = #map2}]} {
    %mul3A = arith.constant 2 : i32
    %mul3A_0 = arith.muli %arg1, %mul3A : i32
    %add3A = arith.addi %mul3A_0, %arg0 : i32
    %iota3A = tpu.iota {dimensions = array<i32: 0>} : vector<16xi32>
    "tpu.region"() ({
      %run_scoped3A = tpu.sem_alloc : memref<!tpu.dma_semaphore, #tpu.memory_space<semaphore_mem>>
      tpu.enqueue_dma source(%arg4 : memref<200x64xf32, #tpu.memory_space<hbm>>) target(%arg8 : memref<200x64xf32, #tpu.memory_space<vmem>>) target_semaphore(%run_scoped3A : memref<!tpu.dma_semaphore, #tpu.memory_space<semaphore_mem>>)
      tpu.wait_dma2 semaphore(%run_scoped3A : memref<!tpu.dma_semaphore, #tpu.memory_space<semaphore_mem>>) src(%arg4 : memref<200x64xf32, #tpu.memory_space<hbm>>) dst(%arg8 : memref<200x64xf32, #tpu.memory_space<vmem>>)
      tpu.yield
    }) : () -> ()
    %mul3A_1 = arith.constant 16 : i32
    %mul3A_2 = arith.muli %add3A, %mul3A_1 : i32
    "tpu.region"() ({
      %run_scoped3A = tpu.sem_alloc : memref<!tpu.dma_semaphore, #tpu.memory_space<semaphore_mem>>
      %dma_start3A_411 = arith.constant 0 : i32
      %dma_start3A_412 = arith.constant 0 : i32
      %dma_start3A_413 = arith.constant 0 : i32
      %dma_start3A_414 = tpu.memref_slice %arg2[%mul3A_2, %dma_start3A_411, %dma_start3A_412, %dma_start3A_413] : memref<512x2x8x128xi32, #tpu.memory_space<hbm>> -> memref<16x2x8x128xi32, #tpu.memory_space<hbm>>
      %dma_start3A_415 = arith.constant 0 : i32
      %dma_start3A_416 = arith.constant 0 : i32
      %dma_start3A_417 = arith.constant 0 : i32
      %dma_start3A_418 = tpu.memref_slice %arg2[%mul3A_2, %dma_start3A_415, %dma_start3A_416, %dma_start3A_417] : memref<512x2x8x128xi32, #tpu.memory_space<hbm>> -> memref<16x2x8x128xi32, #tpu.memory_space<hbm>>
      tpu.enqueue_dma source(%dma_start3A_418 : memref<16x2x8x128xi32, #tpu.memory_space<hbm>>) target(%arg6 : memref<16x2x8x128xi32, #tpu.memory_space<vmem>>) target_semaphore(%run_scoped3A : memref<!tpu.dma_semaphore, #tpu.memory_space<semaphore_mem>>)
      %dma_wait3A_419 = arith.constant 0 : i32
      %dma_wait3A_420 = arith.constant 0 : i32
      %dma_wait3A_421 = arith.constant 0 : i32
      %dma_wait3A_422 = tpu.memref_slice %arg2[%mul3A_2, %dma_wait3A_419, %dma_wait3A_420, %dma_wait3A_421] : memref<512x2x8x128xi32, #tpu.memory_space<hbm>> -> memref<16x2x8x128xi32, #tpu.memory_space<hbm>>
      %dma_wait3A_423 = arith.constant 0 : i32
      %dma_wait3A_424 = arith.constant 0 : i32
      %dma_wait3A_425 = arith.constant 0 : i32
      %dma_wait3A_426 = tpu.memref_slice %arg2[%mul3A_2, %dma_wait3A_423, %dma_wait3A_424, %dma_wait3A_425] : memref<512x2x8x128xi32, #tpu.memory_space<hbm>> -> memref<16x2x8x128xi32, #tpu.memory_space<hbm>>
      tpu.wait_dma2 semaphore(%run_scoped3A : memref<!tpu.dma_semaphore, #tpu.memory_space<semaphore_mem>>) src(%dma_wait3A_426 : memref<16x2x8x128xi32, #tpu.memory_space<hbm>>) dst(%arg6 : memref<16x2x8x128xi32, #tpu.memory_space<vmem>>)
      tpu.yield
    }) : () -> ()
    %jit3A = arith.constant 8 : i32
    %div3A = vector.broadcast %jit3A : i32 to vector<16xi32>
    %div3A_3 = arith.divsi %iota3A, %div3A : vector<16xi32>
    %sign3A = arith.constant 0 : i32
    %sign3A_4 = vector.broadcast %sign3A : i32 to vector<16xi32>
    %sign3A_5 = arith.cmpi sgt, %iota3A, %sign3A_4 : vector<16xi32>
    %sign3A_6 = arith.extui %sign3A_5 : vector<16xi1> to vector<16xi32>
    %sign3A_7 = arith.constant 0 : i32
    %sign3A_8 = vector.broadcast %sign3A_7 : i32 to vector<16xi32>
    %sign3A_9 = arith.cmpi slt, %iota3A, %sign3A_8 : vector<16xi32>
    %sign3A_10 = arith.extui %sign3A_9 : vector<16xi1> to vector<16xi32>
    %sign3A_11 = arith.subi %sign3A_6, %sign3A_10 : vector<16xi32>
    %sign3A_12 = arith.constant 0 : i32
    %sign3A_13 = arith.cmpi sgt, %jit3A, %sign3A_12 : i32
    %sign3A_14 = arith.extui %sign3A_13 : i1 to i32
    %sign3A_15 = arith.constant 0 : i32
    %sign3A_16 = arith.cmpi slt, %jit3A, %sign3A_15 : i32
    %sign3A_17 = arith.extui %sign3A_16 : i1 to i32
    %sign3A_18 = arith.subi %sign3A_14, %sign3A_17 : i32
    %ne3A = vector.broadcast %sign3A_18 : i32 to vector<16xi32>
    %ne3A_19 = arith.cmpi ne, %sign3A_11, %ne3A : vector<16xi32>
    %rem3A = vector.broadcast %jit3A : i32 to vector<16xi32>
    %rem3A_20 = arith.remsi %iota3A, %rem3A : vector<16xi32>
    %ne3A_21 = arith.constant 0 : i32
    %ne3A_22 = vector.broadcast %ne3A_21 : i32 to vector<16xi32>
    %ne3A_23 = arith.cmpi ne, %rem3A_20, %ne3A_22 : vector<16xi32>
    %and3A = arith.andi %ne3A_19, %ne3A_23 : vector<16xi1>
    %sub3A = arith.constant 1 : i32
    %sub3A_24 = vector.broadcast %sub3A : i32 to vector<16xi32>
    %sub3A_25 = arith.subi %div3A_3, %sub3A_24 : vector<16xi32>
    %select_n3A = arith.select %and3A, %sub3A_25, %div3A_3 : vector<16xi1>, vector<16xi32>
    %add3A_26 = arith.constant 0 : i32
    %add3A_27 = vector.broadcast %add3A_26 : i32 to vector<16xi32>
    %add3A_28 = arith.addi %select_n3A, %add3A_27 : vector<16xi32>
    %jit3A_29 = arith.constant 8 : i32
    %div3A_30 = vector.broadcast %jit3A_29 : i32 to vector<16xi32>
    %div3A_31 = arith.divsi %iota3A, %div3A_30 : vector<16xi32>
    %sign3A_32 = arith.constant 0 : i32
    %sign3A_33 = vector.broadcast %sign3A_32 : i32 to vector<16xi32>
    %sign3A_34 = arith.cmpi sgt, %iota3A, %sign3A_33 : vector<16xi32>
    %sign3A_35 = arith.extui %sign3A_34 : vector<16xi1> to vector<16xi32>
    %sign3A_36 = arith.constant 0 : i32
    %sign3A_37 = vector.broadcast %sign3A_36 : i32 to vector<16xi32>
    %sign3A_38 = arith.cmpi slt, %iota3A, %sign3A_37 : vector<16xi32>
    %sign3A_39 = arith.extui %sign3A_38 : vector<16xi1> to vector<16xi32>
    %sign3A_40 = arith.subi %sign3A_35, %sign3A_39 : vector<16xi32>
    %sign3A_41 = arith.constant 0 : i32
    %sign3A_42 = arith.cmpi sgt, %jit3A_29, %sign3A_41 : i32
    %sign3A_43 = arith.extui %sign3A_42 : i1 to i32
    %sign3A_44 = arith.constant 0 : i32
    %sign3A_45 = arith.cmpi slt, %jit3A_29, %sign3A_44 : i32
    %sign3A_46 = arith.extui %sign3A_45 : i1 to i32
    %sign3A_47 = arith.subi %sign3A_43, %sign3A_46 : i32
    %ne3A_48 = vector.broadcast %sign3A_47 : i32 to vector<16xi32>
    %ne3A_49 = arith.cmpi ne, %sign3A_40, %ne3A_48 : vector<16xi32>
    %rem3A_50 = vector.broadcast %jit3A_29 : i32 to vector<16xi32>
    %rem3A_51 = arith.remsi %iota3A, %rem3A_50 : vector<16xi32>
    %ne3A_52 = arith.constant 0 : i32
    %ne3A_53 = vector.broadcast %ne3A_52 : i32 to vector<16xi32>
    %ne3A_54 = arith.cmpi ne, %rem3A_51, %ne3A_53 : vector<16xi32>
    %and3A_55 = arith.andi %ne3A_49, %ne3A_54 : vector<16xi1>
    %sub3A_56 = arith.constant 1 : i32
    %sub3A_57 = vector.broadcast %sub3A_56 : i32 to vector<16xi32>
    %sub3A_58 = arith.subi %div3A_31, %sub3A_57 : vector<16xi32>
    %select_n3A_59 = arith.select %and3A_55, %sub3A_58, %div3A_31 : vector<16xi1>, vector<16xi32>
    %add3A_60 = arith.constant 2 : i32
    %add3A_61 = vector.broadcast %add3A_60 : i32 to vector<16xi32>
    %add3A_62 = arith.addi %select_n3A_59, %add3A_61 : vector<16xi32>
    %jit3A_63 = arith.constant 8 : i32
    %div3A_64 = vector.broadcast %jit3A_63 : i32 to vector<16xi32>
    %div3A_65 = arith.divsi %iota3A, %div3A_64 : vector<16xi32>
    %sign3A_66 = arith.constant 0 : i32
    %sign3A_67 = vector.broadcast %sign3A_66 : i32 to vector<16xi32>
    %sign3A_68 = arith.cmpi sgt, %iota3A, %sign3A_67 : vector<16xi32>
    %sign3A_69 = arith.extui %sign3A_68 : vector<16xi1> to vector<16xi32>
    %sign3A_70 = arith.constant 0 : i32
    %sign3A_71 = vector.broadcast %sign3A_70 : i32 to vector<16xi32>
    %sign3A_72 = arith.cmpi slt, %iota3A, %sign3A_71 : vector<16xi32>
    %sign3A_73 = arith.extui %sign3A_72 : vector<16xi1> to vector<16xi32>
    %sign3A_74 = arith.subi %sign3A_69, %sign3A_73 : vector<16xi32>
    %sign3A_75 = arith.constant 0 : i32
    %sign3A_76 = arith.cmpi sgt, %jit3A_63, %sign3A_75 : i32
    %sign3A_77 = arith.extui %sign3A_76 : i1 to i32
    %sign3A_78 = arith.constant 0 : i32
    %sign3A_79 = arith.cmpi slt, %jit3A_63, %sign3A_78 : i32
    %sign3A_80 = arith.extui %sign3A_79 : i1 to i32
    %sign3A_81 = arith.subi %sign3A_77, %sign3A_80 : i32
    %ne3A_82 = vector.broadcast %sign3A_81 : i32 to vector<16xi32>
    %ne3A_83 = arith.cmpi ne, %sign3A_74, %ne3A_82 : vector<16xi32>
    %rem3A_84 = vector.broadcast %jit3A_63 : i32 to vector<16xi32>
    %rem3A_85 = arith.remsi %iota3A, %rem3A_84 : vector<16xi32>
    %ne3A_86 = arith.constant 0 : i32
    %ne3A_87 = vector.broadcast %ne3A_86 : i32 to vector<16xi32>
    %ne3A_88 = arith.cmpi ne, %rem3A_85, %ne3A_87 : vector<16xi32>
    %and3A_89 = arith.andi %ne3A_83, %ne3A_88 : vector<16xi1>
    %sub3A_90 = arith.constant 1 : i32
    %sub3A_91 = vector.broadcast %sub3A_90 : i32 to vector<16xi32>
    %sub3A_92 = arith.subi %div3A_65, %sub3A_91 : vector<16xi32>
    %select_n3A_93 = arith.select %and3A_89, %sub3A_92, %div3A_65 : vector<16xi1>, vector<16xi32>
    %add3A_94 = arith.constant 4 : i32
    %add3A_95 = vector.broadcast %add3A_94 : i32 to vector<16xi32>
    %add3A_96 = arith.addi %select_n3A_93, %add3A_95 : vector<16xi32>
    %jit3A_97 = arith.constant 8 : i32
    %div3A_98 = vector.broadcast %jit3A_97 : i32 to vector<16xi32>
    %div3A_99 = arith.divsi %iota3A, %div3A_98 : vector<16xi32>
    %sign3A_100 = arith.constant 0 : i32
    %sign3A_101 = vector.broadcast %sign3A_100 : i32 to vector<16xi32>
    %sign3A_102 = arith.cmpi sgt, %iota3A, %sign3A_101 : vector<16xi32>
    %sign3A_103 = arith.extui %sign3A_102 : vector<16xi1> to vector<16xi32>
    %sign3A_104 = arith.constant 0 : i32
    %sign3A_105 = vector.broadcast %sign3A_104 : i32 to vector<16xi32>
    %sign3A_106 = arith.cmpi slt, %iota3A, %sign3A_105 : vector<16xi32>
    %sign3A_107 = arith.extui %sign3A_106 : vector<16xi1> to vector<16xi32>
    %sign3A_108 = arith.subi %sign3A_103, %sign3A_107 : vector<16xi32>
    %sign3A_109 = arith.constant 0 : i32
    %sign3A_110 = arith.cmpi sgt, %jit3A_97, %sign3A_109 : i32
    %sign3A_111 = arith.extui %sign3A_110 : i1 to i32
    %sign3A_112 = arith.constant 0 : i32
    %sign3A_113 = arith.cmpi slt, %jit3A_97, %sign3A_112 : i32
    %sign3A_114 = arith.extui %sign3A_113 : i1 to i32
    %sign3A_115 = arith.subi %sign3A_111, %sign3A_114 : i32
    %ne3A_116 = vector.broadcast %sign3A_115 : i32 to vector<16xi32>
    %ne3A_117 = arith.cmpi ne, %sign3A_108, %ne3A_116 : vector<16xi32>
    %rem3A_118 = vector.broadcast %jit3A_97 : i32 to vector<16xi32>
    %rem3A_119 = arith.remsi %iota3A, %rem3A_118 : vector<16xi32>
    %ne3A_120 = arith.constant 0 : i32
    %ne3A_121 = vector.broadcast %ne3A_120 : i32 to vector<16xi32>
    %ne3A_122 = arith.cmpi ne, %rem3A_119, %ne3A_121 : vector<16xi32>
    %and3A_123 = arith.andi %ne3A_117, %ne3A_122 : vector<16xi1>
    %sub3A_124 = arith.constant 1 : i32
    %sub3A_125 = vector.broadcast %sub3A_124 : i32 to vector<16xi32>
    %sub3A_126 = arith.subi %div3A_99, %sub3A_125 : vector<16xi32>
    %select_n3A_127 = arith.select %and3A_123, %sub3A_126, %div3A_99 : vector<16xi1>, vector<16xi32>
    %add3A_128 = arith.constant 6 : i32
    %add3A_129 = vector.broadcast %add3A_128 : i32 to vector<16xi32>
    %add3A_130 = arith.addi %select_n3A_127, %add3A_129 : vector<16xi32>
    %jit3A_131 = arith.constant 8 : i32
    %div3A_132 = vector.broadcast %jit3A_131 : i32 to vector<16xi32>
    %div3A_133 = arith.divsi %iota3A, %div3A_132 : vector<16xi32>
    %sign3A_134 = arith.constant 0 : i32
    %sign3A_135 = vector.broadcast %sign3A_134 : i32 to vector<16xi32>
    %sign3A_136 = arith.cmpi sgt, %iota3A, %sign3A_135 : vector<16xi32>
    %sign3A_137 = arith.extui %sign3A_136 : vector<16xi1> to vector<16xi32>
    %sign3A_138 = arith.constant 0 : i32
    %sign3A_139 = vector.broadcast %sign3A_138 : i32 to vector<16xi32>
    %sign3A_140 = arith.cmpi slt, %iota3A, %sign3A_139 : vector<16xi32>
    %sign3A_141 = arith.extui %sign3A_140 : vector<16xi1> to vector<16xi32>
    %sign3A_142 = arith.subi %sign3A_137, %sign3A_141 : vector<16xi32>
    %sign3A_143 = arith.constant 0 : i32
    %sign3A_144 = arith.cmpi sgt, %jit3A_131, %sign3A_143 : i32
    %sign3A_145 = arith.extui %sign3A_144 : i1 to i32
    %sign3A_146 = arith.constant 0 : i32
    %sign3A_147 = arith.cmpi slt, %jit3A_131, %sign3A_146 : i32
    %sign3A_148 = arith.extui %sign3A_147 : i1 to i32
    %sign3A_149 = arith.subi %sign3A_145, %sign3A_148 : i32
    %ne3A_150 = vector.broadcast %sign3A_149 : i32 to vector<16xi32>
    %ne3A_151 = arith.cmpi ne, %sign3A_142, %ne3A_150 : vector<16xi32>
    %rem3A_152 = vector.broadcast %jit3A_131 : i32 to vector<16xi32>
    %rem3A_153 = arith.remsi %iota3A, %rem3A_152 : vector<16xi32>
    %ne3A_154 = arith.constant 0 : i32
    %ne3A_155 = vector.broadcast %ne3A_154 : i32 to vector<16xi32>
    %ne3A_156 = arith.cmpi ne, %rem3A_153, %ne3A_155 : vector<16xi32>
    %and3A_157 = arith.andi %ne3A_151, %ne3A_156 : vector<16xi1>
    %sub3A_158 = arith.constant 1 : i32
    %sub3A_159 = vector.broadcast %sub3A_158 : i32 to vector<16xi32>
    %sub3A_160 = arith.subi %div3A_133, %sub3A_159 : vector<16xi32>
    %select_n3A_161 = arith.select %and3A_157, %sub3A_160, %div3A_133 : vector<16xi1>, vector<16xi32>
    %add3A_162 = arith.constant 8 : i32
    %add3A_163 = vector.broadcast %add3A_162 : i32 to vector<16xi32>
    %add3A_164 = arith.addi %select_n3A_161, %add3A_163 : vector<16xi32>
    %jit3A_165 = arith.constant 8 : i32
    %div3A_166 = vector.broadcast %jit3A_165 : i32 to vector<16xi32>
    %div3A_167 = arith.divsi %iota3A, %div3A_166 : vector<16xi32>
    %sign3A_168 = arith.constant 0 : i32
    %sign3A_169 = vector.broadcast %sign3A_168 : i32 to vector<16xi32>
    %sign3A_170 = arith.cmpi sgt, %iota3A, %sign3A_169 : vector<16xi32>
    %sign3A_171 = arith.extui %sign3A_170 : vector<16xi1> to vector<16xi32>
    %sign3A_172 = arith.constant 0 : i32
    %sign3A_173 = vector.broadcast %sign3A_172 : i32 to vector<16xi32>
    %sign3A_174 = arith.cmpi slt, %iota3A, %sign3A_173 : vector<16xi32>
    %sign3A_175 = arith.extui %sign3A_174 : vector<16xi1> to vector<16xi32>
    %sign3A_176 = arith.subi %sign3A_171, %sign3A_175 : vector<16xi32>
    %sign3A_177 = arith.constant 0 : i32
    %sign3A_178 = arith.cmpi sgt, %jit3A_165, %sign3A_177 : i32
    %sign3A_179 = arith.extui %sign3A_178 : i1 to i32
    %sign3A_180 = arith.constant 0 : i32
    %sign3A_181 = arith.cmpi slt, %jit3A_165, %sign3A_180 : i32
    %sign3A_182 = arith.extui %sign3A_181 : i1 to i32
    %sign3A_183 = arith.subi %sign3A_179, %sign3A_182 : i32
    %ne3A_184 = vector.broadcast %sign3A_183 : i32 to vector<16xi32>
    %ne3A_185 = arith.cmpi ne, %sign3A_176, %ne3A_184 : vector<16xi32>
    %rem3A_186 = vector.broadcast %jit3A_165 : i32 to vector<16xi32>
    %rem3A_187 = arith.remsi %iota3A, %rem3A_186 : vector<16xi32>
    %ne3A_188 = arith.constant 0 : i32
    %ne3A_189 = vector.broadcast %ne3A_188 : i32 to vector<16xi32>
    %ne3A_190 = arith.cmpi ne, %rem3A_187, %ne3A_189 : vector<16xi32>
    %and3A_191 = arith.andi %ne3A_185, %ne3A_190 : vector<16xi1>
    %sub3A_192 = arith.constant 1 : i32
    %sub3A_193 = vector.broadcast %sub3A_192 : i32 to vector<16xi32>
    %sub3A_194 = arith.subi %div3A_167, %sub3A_193 : vector<16xi32>
    %select_n3A_195 = arith.select %and3A_191, %sub3A_194, %div3A_167 : vector<16xi1>, vector<16xi32>
    %add3A_196 = arith.constant 10 : i32
    %add3A_197 = vector.broadcast %add3A_196 : i32 to vector<16xi32>
    %add3A_198 = arith.addi %select_n3A_195, %add3A_197 : vector<16xi32>
    %jit3A_199 = arith.constant 8 : i32
    %div3A_200 = vector.broadcast %jit3A_199 : i32 to vector<16xi32>
    %div3A_201 = arith.divsi %iota3A, %div3A_200 : vector<16xi32>
    %sign3A_202 = arith.constant 0 : i32
    %sign3A_203 = vector.broadcast %sign3A_202 : i32 to vector<16xi32>
    %sign3A_204 = arith.cmpi sgt, %iota3A, %sign3A_203 : vector<16xi32>
    %sign3A_205 = arith.extui %sign3A_204 : vector<16xi1> to vector<16xi32>
    %sign3A_206 = arith.constant 0 : i32
    %sign3A_207 = vector.broadcast %sign3A_206 : i32 to vector<16xi32>
    %sign3A_208 = arith.cmpi slt, %iota3A, %sign3A_207 : vector<16xi32>
    %sign3A_209 = arith.extui %sign3A_208 : vector<16xi1> to vector<16xi32>
    %sign3A_210 = arith.subi %sign3A_205, %sign3A_209 : vector<16xi32>
    %sign3A_211 = arith.constant 0 : i32
    %sign3A_212 = arith.cmpi sgt, %jit3A_199, %sign3A_211 : i32
    %sign3A_213 = arith.extui %sign3A_212 : i1 to i32
    %sign3A_214 = arith.constant 0 : i32
    %sign3A_215 = arith.cmpi slt, %jit3A_199, %sign3A_214 : i32
    %sign3A_216 = arith.extui %sign3A_215 : i1 to i32
    %sign3A_217 = arith.subi %sign3A_213, %sign3A_216 : i32
    %ne3A_218 = vector.broadcast %sign3A_217 : i32 to vector<16xi32>
    %ne3A_219 = arith.cmpi ne, %sign3A_210, %ne3A_218 : vector<16xi32>
    %rem3A_220 = vector.broadcast %jit3A_199 : i32 to vector<16xi32>
    %rem3A_221 = arith.remsi %iota3A, %rem3A_220 : vector<16xi32>
    %ne3A_222 = arith.constant 0 : i32
    %ne3A_223 = vector.broadcast %ne3A_222 : i32 to vector<16xi32>
    %ne3A_224 = arith.cmpi ne, %rem3A_221, %ne3A_223 : vector<16xi32>
    %and3A_225 = arith.andi %ne3A_219, %ne3A_224 : vector<16xi1>
    %sub3A_226 = arith.constant 1 : i32
    %sub3A_227 = vector.broadcast %sub3A_226 : i32 to vector<16xi32>
    %sub3A_228 = arith.subi %div3A_201, %sub3A_227 : vector<16xi32>
    %select_n3A_229 = arith.select %and3A_225, %sub3A_228, %div3A_201 : vector<16xi1>, vector<16xi32>
    %add3A_230 = arith.constant 12 : i32
    %add3A_231 = vector.broadcast %add3A_230 : i32 to vector<16xi32>
    %add3A_232 = arith.addi %select_n3A_229, %add3A_231 : vector<16xi32>
    %jit3A_233 = arith.constant 8 : i32
    %div3A_234 = vector.broadcast %jit3A_233 : i32 to vector<16xi32>
    %div3A_235 = arith.divsi %iota3A, %div3A_234 : vector<16xi32>
    %sign3A_236 = arith.constant 0 : i32
    %sign3A_237 = vector.broadcast %sign3A_236 : i32 to vector<16xi32>
    %sign3A_238 = arith.cmpi sgt, %iota3A, %sign3A_237 : vector<16xi32>
    %sign3A_239 = arith.extui %sign3A_238 : vector<16xi1> to vector<16xi32>
    %sign3A_240 = arith.constant 0 : i32
    %sign3A_241 = vector.broadcast %sign3A_240 : i32 to vector<16xi32>
    %sign3A_242 = arith.cmpi slt, %iota3A, %sign3A_241 : vector<16xi32>
    %sign3A_243 = arith.extui %sign3A_242 : vector<16xi1> to vector<16xi32>
    %sign3A_244 = arith.subi %sign3A_239, %sign3A_243 : vector<16xi32>
    %sign3A_245 = arith.constant 0 : i32
    %sign3A_246 = arith.cmpi sgt, %jit3A_233, %sign3A_245 : i32
    %sign3A_247 = arith.extui %sign3A_246 : i1 to i32
    %sign3A_248 = arith.constant 0 : i32
    %sign3A_249 = arith.cmpi slt, %jit3A_233, %sign3A_248 : i32
    %sign3A_250 = arith.extui %sign3A_249 : i1 to i32
    %sign3A_251 = arith.subi %sign3A_247, %sign3A_250 : i32
    %ne3A_252 = vector.broadcast %sign3A_251 : i32 to vector<16xi32>
    %ne3A_253 = arith.cmpi ne, %sign3A_244, %ne3A_252 : vector<16xi32>
    %rem3A_254 = vector.broadcast %jit3A_233 : i32 to vector<16xi32>
    %rem3A_255 = arith.remsi %iota3A, %rem3A_254 : vector<16xi32>
    %ne3A_256 = arith.constant 0 : i32
    %ne3A_257 = vector.broadcast %ne3A_256 : i32 to vector<16xi32>
    %ne3A_258 = arith.cmpi ne, %rem3A_255, %ne3A_257 : vector<16xi32>
    %and3A_259 = arith.andi %ne3A_253, %ne3A_258 : vector<16xi1>
    %sub3A_260 = arith.constant 1 : i32
    %sub3A_261 = vector.broadcast %sub3A_260 : i32 to vector<16xi32>
    %sub3A_262 = arith.subi %div3A_235, %sub3A_261 : vector<16xi32>
    %select_n3A_263 = arith.select %and3A_259, %sub3A_262, %div3A_235 : vector<16xi1>, vector<16xi32>
    %add3A_264 = arith.constant 14 : i32
    %add3A_265 = vector.broadcast %add3A_264 : i32 to vector<16xi32>
    %add3A_266 = arith.addi %select_n3A_263, %add3A_265 : vector<16xi32>
    %jit3A_267 = arith.constant 8 : i32
    %eq3A = arith.constant 0 : i32
    %eq3A_268 = arith.cmpi eq, %jit3A_267, %eq3A : i32
    %jit3A_269 = arith.constant 1 : i32
    %select_n3A_270 = arith.select %eq3A_268, %jit3A_269, %jit3A_267 : i32
    %rem3A_271 = vector.broadcast %select_n3A_270 : i32 to vector<16xi32>
    %rem3A_272 = arith.remsi %iota3A, %rem3A_271 : vector<16xi32>
    %ne3A_273 = arith.constant 0 : i32
    %ne3A_274 = vector.broadcast %ne3A_273 : i32 to vector<16xi32>
    %ne3A_275 = arith.cmpi ne, %rem3A_272, %ne3A_274 : vector<16xi32>
    %lt3A = arith.constant 0 : i32
    %lt3A_276 = vector.broadcast %lt3A : i32 to vector<16xi32>
    %lt3A_277 = arith.cmpi slt, %rem3A_272, %lt3A_276 : vector<16xi32>
    %lt3A_278 = arith.constant 0 : i32
    %lt3A_279 = arith.cmpi slt, %select_n3A_270, %lt3A_278 : i32
    %ne3A_280 = vector.broadcast %lt3A_279 : i1 to vector<16xi1>
    %ne3A_281 = vector.broadcast %ne3A_280 : vector<16xi1> to vector<16xi1>
    %ne3A_282 = arith.xori %lt3A_277, %ne3A_281 : vector<16xi1>
    %and3A_283 = arith.andi %ne3A_282, %ne3A_275 : vector<16xi1>
    %add3A_284 = vector.broadcast %select_n3A_270 : i32 to vector<16xi32>
    %add3A_285 = arith.addi %rem3A_272, %add3A_284 : vector<16xi32>
    %select_n3A_286 = arith.select %and3A_283, %add3A_285, %rem3A_272 : vector<16xi1>, vector<16xi32>
    %broadcast_in_dim3A = arith.constant 0 : i32
    %broadcast_in_dim3A_287 = vector.broadcast %broadcast_in_dim3A : i32 to vector<16xi32>
    %broadcast_in_dim3A_288 = arith.constant 0 : i32
    %broadcast_in_dim3A_289 = vector.broadcast %broadcast_in_dim3A_288 : i32 to vector<16xi32>
    %gather3A = tpu.vector_load_idx %arg6[%add3A_28, %broadcast_in_dim3A_287, %select_n3A_286, %broadcast_in_dim3A_289] : memref<16x2x8x128xi32, #tpu.memory_space<vmem>>[vector<16xi32>, vector<16xi32>, vector<16xi32>, vector<16xi32>], vector<16xi32>,
    %swap3A = arith.constant 0 : i32
    %swap3A_290 = arith.index_cast %swap3A : i32 to index
    %swap3A_291 = arith.constant 0 : index
    %swap3A_292 = tpu.vector_load %arg7[%swap3A_290, %swap3A_291] {strides = array<i32>} : memref<2x128xi32, #tpu.memory_space<vmem>>, vector<16xi32>,
    tpu.vector_store %arg7[%swap3A_290, %swap3A_291], %gather3A {strides = array<i32>} : memref<2x128xi32, #tpu.memory_space<vmem>>, vector<16xi32>,
    %gather3A_293 = tpu.vector_load_idx %arg6[%add3A_62, %broadcast_in_dim3A_287, %select_n3A_286, %broadcast_in_dim3A_289] : memref<16x2x8x128xi32, #tpu.memory_space<vmem>>[vector<16xi32>, vector<16xi32>, vector<16xi32>, vector<16xi32>], vector<16xi32>,
    %swap3A_294 = arith.constant 0 : i32
    %swap3A_295 = arith.index_cast %swap3A_294 : i32 to index
    %swap3A_296 = arith.constant 16 : index
    %swap3A_297 = tpu.vector_load %arg7[%swap3A_295, %swap3A_296] {strides = array<i32>} : memref<2x128xi32, #tpu.memory_space<vmem>>, vector<16xi32>,
    tpu.vector_store %arg7[%swap3A_295, %swap3A_296], %gather3A_293 {strides = array<i32>} : memref<2x128xi32, #tpu.memory_space<vmem>>, vector<16xi32>,
    %gather3A_298 = tpu.vector_load_idx %arg6[%add3A_96, %broadcast_in_dim3A_287, %select_n3A_286, %broadcast_in_dim3A_289] : memref<16x2x8x128xi32, #tpu.memory_space<vmem>>[vector<16xi32>, vector<16xi32>, vector<16xi32>, vector<16xi32>], vector<16xi32>,
    %swap3A_299 = arith.constant 0 : i32
    %swap3A_300 = arith.index_cast %swap3A_299 : i32 to index
    %swap3A_301 = arith.constant 32 : index
    %swap3A_302 = tpu.vector_load %arg7[%swap3A_300, %swap3A_301] {strides = array<i32>} : memref<2x128xi32, #tpu.memory_space<vmem>>, vector<16xi32>,
    tpu.vector_store %arg7[%swap3A_300, %swap3A_301], %gather3A_298 {strides = array<i32>} : memref<2x128xi32, #tpu.memory_space<vmem>>, vector<16xi32>,
    %gather3A_303 = tpu.vector_load_idx %arg6[%add3A_130, %broadcast_in_dim3A_287, %select_n3A_286, %broadcast_in_dim3A_289] : memref<16x2x8x128xi32, #tpu.memory_space<vmem>>[vector<16xi32>, vector<16xi32>, vector<16xi32>, vector<16xi32>], vector<16xi32>,
    %swap3A_304 = arith.constant 0 : i32
    %swap3A_305 = arith.index_cast %swap3A_304 : i32 to index
    %swap3A_306 = arith.constant 48 : index
    %swap3A_307 = tpu.vector_load %arg7[%swap3A_305, %swap3A_306] {strides = array<i32>} : memref<2x128xi32, #tpu.memory_space<vmem>>, vector<16xi32>,
    tpu.vector_store %arg7[%swap3A_305, %swap3A_306], %gather3A_303 {strides = array<i32>} : memref<2x128xi32, #tpu.memory_space<vmem>>, vector<16xi32>,
    %gather3A_308 = tpu.vector_load_idx %arg6[%add3A_164, %broadcast_in_dim3A_287, %select_n3A_286, %broadcast_in_dim3A_289] : memref<16x2x8x128xi32, #tpu.memory_space<vmem>>[vector<16xi32>, vector<16xi32>, vector<16xi32>, vector<16xi32>], vector<16xi32>,
    %swap3A_309 = arith.constant 0 : i32
    %swap3A_310 = arith.index_cast %swap3A_309 : i32 to index
    %swap3A_311 = arith.constant 64 : index
    %swap3A_312 = tpu.vector_load %arg7[%swap3A_310, %swap3A_311] {strides = array<i32>} : memref<2x128xi32, #tpu.memory_space<vmem>>, vector<16xi32>,
    tpu.vector_store %arg7[%swap3A_310, %swap3A_311], %gather3A_308 {strides = array<i32>} : memref<2x128xi32, #tpu.memory_space<vmem>>, vector<16xi32>,
    %gather3A_313 = tpu.vector_load_idx %arg6[%add3A_198, %broadcast_in_dim3A_287, %select_n3A_286, %broadcast_in_dim3A_289] : memref<16x2x8x128xi32, #tpu.memory_space<vmem>>[vector<16xi32>, vector<16xi32>, vector<16xi32>, vector<16xi32>], vector<16xi32>,
    %swap3A_314 = arith.constant 0 : i32
    %swap3A_315 = arith.index_cast %swap3A_314 : i32 to index
    %swap3A_316 = arith.constant 80 : index
    %swap3A_317 = tpu.vector_load %arg7[%swap3A_315, %swap3A_316] {strides = array<i32>} : memref<2x128xi32, #tpu.memory_space<vmem>>, vector<16xi32>,
    tpu.vector_store %arg7[%swap3A_315, %swap3A_316], %gather3A_313 {strides = array<i32>} : memref<2x128xi32, #tpu.memory_space<vmem>>, vector<16xi32>,
    %gather3A_318 = tpu.vector_load_idx %arg6[%add3A_232, %broadcast_in_dim3A_287, %select_n3A_286, %broadcast_in_dim3A_289] : memref<16x2x8x128xi32, #tpu.memory_space<vmem>>[vector<16xi32>, vector<16xi32>, vector<16xi32>, vector<16xi32>], vector<16xi32>,
    %swap3A_319 = arith.constant 0 : i32
    %swap3A_320 = arith.index_cast %swap3A_319 : i32 to index
    %swap3A_321 = arith.constant 96 : index
    %swap3A_322 = tpu.vector_load %arg7[%swap3A_320, %swap3A_321] {strides = array<i32>} : memref<2x128xi32, #tpu.memory_space<vmem>>, vector<16xi32>,
    tpu.vector_store %arg7[%swap3A_320, %swap3A_321], %gather3A_318 {strides = array<i32>} : memref<2x128xi32, #tpu.memory_space<vmem>>, vector<16xi32>,
    %gather3A_323 = tpu.vector_load_idx %arg6[%add3A_266, %broadcast_in_dim3A_287, %select_n3A_286, %broadcast_in_dim3A_289] : memref<16x2x8x128xi32, #tpu.memory_space<vmem>>[vector<16xi32>, vector<16xi32>, vector<16xi32>, vector<16xi32>], vector<16xi32>,
    %swap3A_324 = arith.constant 0 : i32
    %swap3A_325 = arith.index_cast %swap3A_324 : i32 to index
    %swap3A_326 = arith.constant 112 : index
    %swap3A_327 = tpu.vector_load %arg7[%swap3A_325, %swap3A_326] {strides = array<i32>} : memref<2x128xi32, #tpu.memory_space<vmem>>, vector<16xi32>,
    tpu.vector_store %arg7[%swap3A_325, %swap3A_326], %gather3A_323 {strides = array<i32>} : memref<2x128xi32, #tpu.memory_space<vmem>>, vector<16xi32>,
    %dma_start3A = arith.constant 0 : i32
    %dma_start3A_328 = arith.constant 0 : i32
    %dma_start3A_329 = tpu.memref_slice %arg7[%dma_start3A, %dma_start3A_328] : memref<2x128xi32, #tpu.memory_space<vmem>> -> memref<1x128xi32, #tpu.memory_space<vmem>>
    %dma_start3A_330 = tpu.memref_squeeze %dma_start3A_329 : memref<1x128xi32, #tpu.memory_space<vmem>> -> memref<128xi32, #tpu.memory_space<vmem>>
    %dma_start3A_331 = arith.constant 0 : i32
    %dma_start3A_332 = arith.constant 0 : i32
    %dma_start3A_333 = tpu.memref_slice %arg3[%dma_start3A_331, %dma_start3A_332] : memref<100000x64xf32, #tpu.memory_space<hbm>> -> memref<100000x64xf32, #tpu.memory_space<hbm>>
    tpu.enqueue_indirect_dma source(%dma_start3A_333 : memref<100000x64xf32, #tpu.memory_space<hbm>>) target(%arg9 : memref<128x64xf32, #tpu.memory_space<vmem>>) offsets(%dma_start3A_330 : memref<128xi32, #tpu.memory_space<vmem>>) semaphore(%arg13 : memref<!tpu.dma_semaphore, #tpu.memory_space<semaphore_mem>>)
    %broadcast_in_dim3A_334 = arith.constant 0 : i32
    %broadcast_in_dim3A_335 = vector.broadcast %broadcast_in_dim3A_334 : i32 to vector<16xi32>
    %broadcast_in_dim3A_336 = arith.constant 1 : i32
    %broadcast_in_dim3A_337 = vector.broadcast %broadcast_in_dim3A_336 : i32 to vector<16xi32>
    %gather3A_338 = tpu.vector_load_idx %arg6[%add3A_28, %broadcast_in_dim3A_335, %select_n3A_286, %broadcast_in_dim3A_337] : memref<16x2x8x128xi32, #tpu.memory_space<vmem>>[vector<16xi32>, vector<16xi32>, vector<16xi32>, vector<16xi32>], vector<16xi32>,
    %swap3A_339 = arith.constant 1 : i32
    %swap3A_340 = arith.index_cast %swap3A_339 : i32 to index
    %swap3A_341 = arith.constant 0 : index
    %swap3A_342 = tpu.vector_load %arg7[%swap3A_340, %swap3A_341] {strides = array<i32>} : memref<2x128xi32, #tpu.memory_space<vmem>>, vector<16xi32>,
    tpu.vector_store %arg7[%swap3A_340, %swap3A_341], %gather3A_338 {strides = array<i32>} : memref<2x128xi32, #tpu.memory_space<vmem>>, vector<16xi32>,
    %gather3A_343 = tpu.vector_load_idx %arg6[%add3A_62, %broadcast_in_dim3A_335, %select_n3A_286, %broadcast_in_dim3A_337] : memref<16x2x8x128xi32, #tpu.memory_space<vmem>>[vector<16xi32>, vector<16xi32>, vector<16xi32>, vector<16xi32>], vector<16xi32>,
    %swap3A_344 = arith.constant 1 : i32
    %swap3A_345 = arith.index_cast %swap3A_344 : i32 to index
    %swap3A_346 = arith.constant 16 : index
    %swap3A_347 = tpu.vector_load %arg7[%swap3A_345, %swap3A_346] {strides = array<i32>} : memref<2x128xi32, #tpu.memory_space<vmem>>, vector<16xi32>,
    tpu.vector_store %arg7[%swap3A_345, %swap3A_346], %gather3A_343 {strides = array<i32>} : memref<2x128xi32, #tpu.memory_space<vmem>>, vector<16xi32>,
    %gather3A_348 = tpu.vector_load_idx %arg6[%add3A_96, %broadcast_in_dim3A_335, %select_n3A_286, %broadcast_in_dim3A_337] : memref<16x2x8x128xi32, #tpu.memory_space<vmem>>[vector<16xi32>, vector<16xi32>, vector<16xi32>, vector<16xi32>], vector<16xi32>,
    %swap3A_349 = arith.constant 1 : i32
    %swap3A_350 = arith.index_cast %swap3A_349 : i32 to index
    %swap3A_351 = arith.constant 32 : index
    %swap3A_352 = tpu.vector_load %arg7[%swap3A_350, %swap3A_351] {strides = array<i32>} : memref<2x128xi32, #tpu.memory_space<vmem>>, vector<16xi32>,
    tpu.vector_store %arg7[%swap3A_350, %swap3A_351], %gather3A_348 {strides = array<i32>} : memref<2x128xi32, #tpu.memory_space<vmem>>, vector<16xi32>,
    %gather3A_353 = tpu.vector_load_idx %arg6[%add3A_130, %broadcast_in_dim3A_335, %select_n3A_286, %broadcast_in_dim3A_337] : memref<16x2x8x128xi32, #tpu.memory_space<vmem>>[vector<16xi32>, vector<16xi32>, vector<16xi32>, vector<16xi32>], vector<16xi32>,
    %swap3A_354 = arith.constant 1 : i32
    %swap3A_355 = arith.index_cast %swap3A_354 : i32 to index
    %swap3A_356 = arith.constant 48 : index
    %swap3A_357 = tpu.vector_load %arg7[%swap3A_355, %swap3A_356] {strides = array<i32>} : memref<2x128xi32, #tpu.memory_space<vmem>>, vector<16xi32>,
    tpu.vector_store %arg7[%swap3A_355, %swap3A_356], %gather3A_353 {strides = array<i32>} : memref<2x128xi32, #tpu.memory_space<vmem>>, vector<16xi32>,
    %gather3A_358 = tpu.vector_load_idx %arg6[%add3A_164, %broadcast_in_dim3A_335, %select_n3A_286, %broadcast_in_dim3A_337] : memref<16x2x8x128xi32, #tpu.memory_space<vmem>>[vector<16xi32>, vector<16xi32>, vector<16xi32>, vector<16xi32>], vector<16xi32>,
    %swap3A_359 = arith.constant 1 : i32
    %swap3A_360 = arith.index_cast %swap3A_359 : i32 to index
    %swap3A_361 = arith.constant 64 : index
    %swap3A_362 = tpu.vector_load %arg7[%swap3A_360, %swap3A_361] {strides = array<i32>} : memref<2x128xi32, #tpu.memory_space<vmem>>, vector<16xi32>,
    tpu.vector_store %arg7[%swap3A_360, %swap3A_361], %gather3A_358 {strides = array<i32>} : memref<2x128xi32, #tpu.memory_space<vmem>>, vector<16xi32>,
    %gather3A_363 = tpu.vector_load_idx %arg6[%add3A_198, %broadcast_in_dim3A_335, %select_n3A_286, %broadcast_in_dim3A_337] : memref<16x2x8x128xi32, #tpu.memory_space<vmem>>[vector<16xi32>, vector<16xi32>, vector<16xi32>, vector<16xi32>], vector<16xi32>,
    %swap3A_364 = arith.constant 1 : i32
    %swap3A_365 = arith.index_cast %swap3A_364 : i32 to index
    %swap3A_366 = arith.constant 80 : index
    %swap3A_367 = tpu.vector_load %arg7[%swap3A_365, %swap3A_366] {strides = array<i32>} : memref<2x128xi32, #tpu.memory_space<vmem>>, vector<16xi32>,
    tpu.vector_store %arg7[%swap3A_365, %swap3A_366], %gather3A_363 {strides = array<i32>} : memref<2x128xi32, #tpu.memory_space<vmem>>, vector<16xi32>,
    %gather3A_368 = tpu.vector_load_idx %arg6[%add3A_232, %broadcast_in_dim3A_335, %select_n3A_286, %broadcast_in_dim3A_337] : memref<16x2x8x128xi32, #tpu.memory_space<vmem>>[vector<16xi32>, vector<16xi32>, vector<16xi32>, vector<16xi32>], vector<16xi32>,
    %swap3A_369 = arith.constant 1 : i32
    %swap3A_370 = arith.index_cast %swap3A_369 : i32 to index
    %swap3A_371 = arith.constant 96 : index
    %swap3A_372 = tpu.vector_load %arg7[%swap3A_370, %swap3A_371] {strides = array<i32>} : memref<2x128xi32, #tpu.memory_space<vmem>>, vector<16xi32>,
    tpu.vector_store %arg7[%swap3A_370, %swap3A_371], %gather3A_368 {strides = array<i32>} : memref<2x128xi32, #tpu.memory_space<vmem>>, vector<16xi32>,
    %gather3A_373 = tpu.vector_load_idx %arg6[%add3A_266, %broadcast_in_dim3A_335, %select_n3A_286, %broadcast_in_dim3A_337] : memref<16x2x8x128xi32, #tpu.memory_space<vmem>>[vector<16xi32>, vector<16xi32>, vector<16xi32>, vector<16xi32>], vector<16xi32>,
    %swap3A_374 = arith.constant 1 : i32
    %swap3A_375 = arith.index_cast %swap3A_374 : i32 to index
    %swap3A_376 = arith.constant 112 : index
    %swap3A_377 = tpu.vector_load %arg7[%swap3A_375, %swap3A_376] {strides = array<i32>} : memref<2x128xi32, #tpu.memory_space<vmem>>, vector<16xi32>,
    tpu.vector_store %arg7[%swap3A_375, %swap3A_376], %gather3A_373 {strides = array<i32>} : memref<2x128xi32, #tpu.memory_space<vmem>>, vector<16xi32>,
    %dma_start3A_378 = arith.constant 1 : i32
    %dma_start3A_379 = arith.constant 0 : i32
    %dma_start3A_380 = tpu.memref_slice %arg7[%dma_start3A_378, %dma_start3A_379] : memref<2x128xi32, #tpu.memory_space<vmem>> -> memref<1x128xi32, #tpu.memory_space<vmem>>
    %dma_start3A_381 = tpu.memref_squeeze %dma_start3A_380 : memref<1x128xi32, #tpu.memory_space<vmem>> -> memref<128xi32, #tpu.memory_space<vmem>>
    %dma_start3A_382 = arith.constant 0 : i32
    %dma_start3A_383 = arith.constant 0 : i32
    %dma_start3A_384 = tpu.memref_slice %arg3[%dma_start3A_382, %dma_start3A_383] : memref<100000x64xf32, #tpu.memory_space<hbm>> -> memref<100000x64xf32, #tpu.memory_space<hbm>>
    tpu.enqueue_indirect_dma source(%dma_start3A_384 : memref<100000x64xf32, #tpu.memory_space<hbm>>) target(%arg10 : memref<128x64xf32, #tpu.memory_space<vmem>>) offsets(%dma_start3A_381 : memref<128xi32, #tpu.memory_space<vmem>>) semaphore(%arg14 : memref<!tpu.dma_semaphore, #tpu.memory_space<semaphore_mem>>)
    %scan3A = arith.constant 0 : i32
    %scan3A_385 = arith.constant 0 : i32
    %scan3A_386 = arith.constant 100 : i32
    %scan3A_387 = arith.addi %scan3A_385, %scan3A_386 : i32
    %scan3A_388 = arith.constant 1 : i32
    scf.for %scan3A_411 = %scan3A_385 to %scan3A_387 step %scan3A_388  : i32 {
      %mul3A_412 = arith.constant 2 : i32
      %mul3A_413 = arith.muli %mul3A_412, %scan3A_411 : i32
      %dma_wait3A_414 = arith.constant 0 : i32
      %dma_wait3A_415 = arith.constant 0 : i32
      %dma_wait3A_416 = tpu.memref_slice %arg3[%dma_wait3A_414, %dma_wait3A_415] : memref<100000x64xf32, #tpu.memory_space<hbm>> -> memref<128x64xf32, #tpu.memory_space<hbm>>
      %dma_wait3A_417 = arith.constant 0 : i32
      %dma_wait3A_418 = arith.constant 0 : i32
      %dma_wait3A_419 = tpu.memref_slice %arg3[%dma_wait3A_417, %dma_wait3A_418] : memref<100000x64xf32, #tpu.memory_space<hbm>> -> memref<128x64xf32, #tpu.memory_space<hbm>>
      tpu.wait_dma2 semaphore(%arg13 : memref<!tpu.dma_semaphore, #tpu.memory_space<semaphore_mem>>) src(%dma_wait3A_419 : memref<128x64xf32, #tpu.memory_space<hbm>>) dst(%arg9 : memref<128x64xf32, #tpu.memory_space<vmem>>)
      %add3A_420 = arith.constant 0 : i32
      %add3A_421 = vector.broadcast %add3A_420 : i32 to vector<16xi32>
      %add3A_422 = arith.addi %iota3A, %add3A_421 : vector<16xi32>
      %add3A_423 = arith.constant 16 : i32
      %add3A_424 = vector.broadcast %add3A_423 : i32 to vector<16xi32>
      %add3A_425 = arith.addi %iota3A, %add3A_424 : vector<16xi32>
      %add3A_426 = arith.constant 32 : i32
      %add3A_427 = vector.broadcast %add3A_426 : i32 to vector<16xi32>
      %add3A_428 = arith.addi %iota3A, %add3A_427 : vector<16xi32>
      %add3A_429 = arith.constant 48 : i32
      %add3A_430 = vector.broadcast %add3A_429 : i32 to vector<16xi32>
      %add3A_431 = arith.addi %iota3A, %add3A_430 : vector<16xi32>
      %add3A_432 = arith.constant 64 : i32
      %add3A_433 = vector.broadcast %add3A_432 : i32 to vector<16xi32>
      %add3A_434 = arith.addi %iota3A, %add3A_433 : vector<16xi32>
      %add3A_435 = arith.constant 80 : i32
      %add3A_436 = vector.broadcast %add3A_435 : i32 to vector<16xi32>
      %add3A_437 = arith.addi %iota3A, %add3A_436 : vector<16xi32>
      %add3A_438 = arith.constant 96 : i32
      %add3A_439 = vector.broadcast %add3A_438 : i32 to vector<16xi32>
      %add3A_440 = arith.addi %iota3A, %add3A_439 : vector<16xi32>
      %add3A_441 = arith.constant 112 : i32
      %add3A_442 = vector.broadcast %add3A_441 : i32 to vector<16xi32>
      %add3A_443 = arith.addi %iota3A, %add3A_442 : vector<16xi32>
      %broadcast_in_dim3A_444 = vector.broadcast %mul3A_413 : i32 to vector<16xi32>
      %parallel_loop3A = arith.constant 0 : i32
      %parallel_loop3A_445 = arith.constant 64 : i32
      %parallel_loop3A_446 = arith.constant 1 : i32
      scf.for %parallel_loop3A_510 = %parallel_loop3A to %parallel_loop3A_445 step %parallel_loop3A_446  : i32 {
        %parallel_loop3A_511 = vector.broadcast %parallel_loop3A_510 : i32 to vector<16xi32>
        %parallel_loop3A_512 = tpu.vector_load_idx %arg8[%broadcast_in_dim3A_444, %parallel_loop3A_511] : memref<200x64xf32, #tpu.memory_space<vmem>>[vector<16xi32>, vector<16xi32>], vector<16xf32>,
        %parallel_loop3A_513 = arith.constant 8 : i32
        %parallel_loop3A_514 = arith.divsi %parallel_loop3A_510, %parallel_loop3A_513 : i32
        %parallel_loop3A_515 = arith.constant 0 : i32
        %parallel_loop3A_516 = arith.cmpi sgt, %parallel_loop3A_510, %parallel_loop3A_515 : i32
        %parallel_loop3A_517 = arith.extui %parallel_loop3A_516 : i1 to i32
        %parallel_loop3A_518 = arith.constant 0 : i32
        %parallel_loop3A_519 = arith.cmpi slt, %parallel_loop3A_510, %parallel_loop3A_518 : i32
        %parallel_loop3A_520 = arith.extui %parallel_loop3A_519 : i1 to i32
        %parallel_loop3A_521 = arith.subi %parallel_loop3A_517, %parallel_loop3A_520 : i32
        %parallel_loop3A_522 = arith.constant 0 : i32
        %parallel_loop3A_523 = arith.cmpi sgt, %parallel_loop3A_513, %parallel_loop3A_522 : i32
        %parallel_loop3A_524 = arith.extui %parallel_loop3A_523 : i1 to i32
        %parallel_loop3A_525 = arith.constant 0 : i32
        %parallel_loop3A_526 = arith.cmpi slt, %parallel_loop3A_513, %parallel_loop3A_525 : i32
        %parallel_loop3A_527 = arith.extui %parallel_loop3A_526 : i1 to i32
        %parallel_loop3A_528 = arith.subi %parallel_loop3A_524, %parallel_loop3A_527 : i32
        %parallel_loop3A_529 = arith.cmpi ne, %parallel_loop3A_521, %parallel_loop3A_528 : i32
        %parallel_loop3A_530 = arith.remsi %parallel_loop3A_510, %parallel_loop3A_513 : i32
        %parallel_loop3A_531 = arith.constant 0 : i32
        %parallel_loop3A_532 = arith.cmpi ne, %parallel_loop3A_530, %parallel_loop3A_531 : i32
        %parallel_loop3A_533 = arith.andi %parallel_loop3A_529, %parallel_loop3A_532 : i1
        %parallel_loop3A_534 = arith.constant 1 : i32
        %parallel_loop3A_535 = arith.subi %parallel_loop3A_514, %parallel_loop3A_534 : i32
        %parallel_loop3A_536 = arith.select %parallel_loop3A_533, %parallel_loop3A_535, %parallel_loop3A_514 : i32
        %parallel_loop3A_537 = arith.constant 8 : i32
        %parallel_loop3A_538 = arith.constant 0 : i32
        %parallel_loop3A_539 = arith.cmpi eq, %parallel_loop3A_537, %parallel_loop3A_538 : i32
        %parallel_loop3A_540 = arith.constant 1 : i32
        %parallel_loop3A_541 = arith.select %parallel_loop3A_539, %parallel_loop3A_540, %parallel_loop3A_537 : i32
        %parallel_loop3A_542 = arith.remsi %parallel_loop3A_510, %parallel_loop3A_541 : i32
        %parallel_loop3A_543 = arith.constant 0 : i32
        %parallel_loop3A_544 = arith.cmpi ne, %parallel_loop3A_542, %parallel_loop3A_543 : i32
        %parallel_loop3A_545 = arith.constant 0 : i32
        %parallel_loop3A_546 = arith.cmpi slt, %parallel_loop3A_542, %parallel_loop3A_545 : i32
        %parallel_loop3A_547 = arith.constant 0 : i32
        %parallel_loop3A_548 = arith.cmpi slt, %parallel_loop3A_541, %parallel_loop3A_547 : i32
        %parallel_loop3A_549 = arith.xori %parallel_loop3A_546, %parallel_loop3A_548 : i1
        %parallel_loop3A_550 = arith.andi %parallel_loop3A_549, %parallel_loop3A_544 : i1
        %parallel_loop3A_551 = arith.addi %parallel_loop3A_542, %parallel_loop3A_541 : i32
        %parallel_loop3A_552 = arith.select %parallel_loop3A_550, %parallel_loop3A_551, %parallel_loop3A_542 : i32
        %parallel_loop3A_553 = tpu.vector_load_idx %arg9[%add3A_422, %parallel_loop3A_511] : memref<128x64xf32, #tpu.memory_space<vmem>>[vector<16xi32>, vector<16xi32>], vector<16xf32>,
        %parallel_loop3A_554 = arith.addf %parallel_loop3A_553, %parallel_loop3A_512 : vector<16xf32>
        %parallel_loop3A_555 = arith.constant 0 : i32
        %parallel_loop3A_556 = arith.index_cast %parallel_loop3A_536 : i32 to index
        %parallel_loop3A_557 = arith.index_cast %parallel_loop3A_555 : i32 to index
        %parallel_loop3A_558 = arith.index_cast %parallel_loop3A_552 : i32 to index
        %parallel_loop3A_559 = arith.constant 0 : index
        %parallel_loop3A_560 = tpu.vector_load %arg11[%parallel_loop3A_556, %parallel_loop3A_557, %parallel_loop3A_558, %parallel_loop3A_559] {strides = array<i32>} : memref<8x1x8x128xf32, #tpu.memory_space<vmem>>, vector<16xf32>,
        tpu.vector_store %arg11[%parallel_loop3A_556, %parallel_loop3A_557, %parallel_loop3A_558, %parallel_loop3A_559], %parallel_loop3A_554 {strides = array<i32>} : memref<8x1x8x128xf32, #tpu.memory_space<vmem>>, vector<16xf32>,
        %parallel_loop3A_561 = tpu.vector_load_idx %arg9[%add3A_425, %parallel_loop3A_511] : memref<128x64xf32, #tpu.memory_space<vmem>>[vector<16xi32>, vector<16xi32>], vector<16xf32>,
        %parallel_loop3A_562 = arith.addf %parallel_loop3A_561, %parallel_loop3A_512 : vector<16xf32>
        %parallel_loop3A_563 = arith.constant 0 : i32
        %parallel_loop3A_564 = arith.index_cast %parallel_loop3A_536 : i32 to index
        %parallel_loop3A_565 = arith.index_cast %parallel_loop3A_563 : i32 to index
        %parallel_loop3A_566 = arith.index_cast %parallel_loop3A_552 : i32 to index
        %parallel_loop3A_567 = arith.constant 16 : index
        %parallel_loop3A_568 = tpu.vector_load %arg11[%parallel_loop3A_564, %parallel_loop3A_565, %parallel_loop3A_566, %parallel_loop3A_567] {strides = array<i32>} : memref<8x1x8x128xf32, #tpu.memory_space<vmem>>, vector<16xf32>,
        tpu.vector_store %arg11[%parallel_loop3A_564, %parallel_loop3A_565, %parallel_loop3A_566, %parallel_loop3A_567], %parallel_loop3A_562 {strides = array<i32>} : memref<8x1x8x128xf32, #tpu.memory_space<vmem>>, vector<16xf32>,
        %parallel_loop3A_569 = tpu.vector_load_idx %arg9[%add3A_428, %parallel_loop3A_511] : memref<128x64xf32, #tpu.memory_space<vmem>>[vector<16xi32>, vector<16xi32>], vector<16xf32>,
        %parallel_loop3A_570 = arith.addf %parallel_loop3A_569, %parallel_loop3A_512 : vector<16xf32>
        %parallel_loop3A_571 = arith.constant 0 : i32
        %parallel_loop3A_572 = arith.index_cast %parallel_loop3A_536 : i32 to index
        %parallel_loop3A_573 = arith.index_cast %parallel_loop3A_571 : i32 to index
        %parallel_loop3A_574 = arith.index_cast %parallel_loop3A_552 : i32 to index
        %parallel_loop3A_575 = arith.constant 32 : index
        %parallel_loop3A_576 = tpu.vector_load %arg11[%parallel_loop3A_572, %parallel_loop3A_573, %parallel_loop3A_574, %parallel_loop3A_575] {strides = array<i32>} : memref<8x1x8x128xf32, #tpu.memory_space<vmem>>, vector<16xf32>,
        tpu.vector_store %arg11[%parallel_loop3A_572, %parallel_loop3A_573, %parallel_loop3A_574, %parallel_loop3A_575], %parallel_loop3A_570 {strides = array<i32>} : memref<8x1x8x128xf32, #tpu.memory_space<vmem>>, vector<16xf32>,
        %parallel_loop3A_577 = tpu.vector_load_idx %arg9[%add3A_431, %parallel_loop3A_511] : memref<128x64xf32, #tpu.memory_space<vmem>>[vector<16xi32>, vector<16xi32>], vector<16xf32>,
        %parallel_loop3A_578 = arith.addf %parallel_loop3A_577, %parallel_loop3A_512 : vector<16xf32>
        %parallel_loop3A_579 = arith.constant 0 : i32
        %parallel_loop3A_580 = arith.index_cast %parallel_loop3A_536 : i32 to index
        %parallel_loop3A_581 = arith.index_cast %parallel_loop3A_579 : i32 to index
        %parallel_loop3A_582 = arith.index_cast %parallel_loop3A_552 : i32 to index
        %parallel_loop3A_583 = arith.constant 48 : index
        %parallel_loop3A_584 = tpu.vector_load %arg11[%parallel_loop3A_580, %parallel_loop3A_581, %parallel_loop3A_582, %parallel_loop3A_583] {strides = array<i32>} : memref<8x1x8x128xf32, #tpu.memory_space<vmem>>, vector<16xf32>,
        tpu.vector_store %arg11[%parallel_loop3A_580, %parallel_loop3A_581, %parallel_loop3A_582, %parallel_loop3A_583], %parallel_loop3A_578 {strides = array<i32>} : memref<8x1x8x128xf32, #tpu.memory_space<vmem>>, vector<16xf32>,
        %parallel_loop3A_585 = tpu.vector_load_idx %arg9[%add3A_434, %parallel_loop3A_511] : memref<128x64xf32, #tpu.memory_space<vmem>>[vector<16xi32>, vector<16xi32>], vector<16xf32>,
        %parallel_loop3A_586 = arith.addf %parallel_loop3A_585, %parallel_loop3A_512 : vector<16xf32>
        %parallel_loop3A_587 = arith.constant 0 : i32
        %parallel_loop3A_588 = arith.index_cast %parallel_loop3A_536 : i32 to index
        %parallel_loop3A_589 = arith.index_cast %parallel_loop3A_587 : i32 to index
        %parallel_loop3A_590 = arith.index_cast %parallel_loop3A_552 : i32 to index
        %parallel_loop3A_591 = arith.constant 64 : index
        %parallel_loop3A_592 = tpu.vector_load %arg11[%parallel_loop3A_588, %parallel_loop3A_589, %parallel_loop3A_590, %parallel_loop3A_591] {strides = array<i32>} : memref<8x1x8x128xf32, #tpu.memory_space<vmem>>, vector<16xf32>,
        tpu.vector_store %arg11[%parallel_loop3A_588, %parallel_loop3A_589, %parallel_loop3A_590, %parallel_loop3A_591], %parallel_loop3A_586 {strides = array<i32>} : memref<8x1x8x128xf32, #tpu.memory_space<vmem>>, vector<16xf32>,
        %parallel_loop3A_593 = tpu.vector_load_idx %arg9[%add3A_437, %parallel_loop3A_511] : memref<128x64xf32, #tpu.memory_space<vmem>>[vector<16xi32>, vector<16xi32>], vector<16xf32>,
        %parallel_loop3A_594 = arith.addf %parallel_loop3A_593, %parallel_loop3A_512 : vector<16xf32>
        %parallel_loop3A_595 = arith.constant 0 : i32
        %parallel_loop3A_596 = arith.index_cast %parallel_loop3A_536 : i32 to index
        %parallel_loop3A_597 = arith.index_cast %parallel_loop3A_595 : i32 to index
        %parallel_loop3A_598 = arith.index_cast %parallel_loop3A_552 : i32 to index
        %parallel_loop3A_599 = arith.constant 80 : index
        %parallel_loop3A_600 = tpu.vector_load %arg11[%parallel_loop3A_596, %parallel_loop3A_597, %parallel_loop3A_598, %parallel_loop3A_599] {strides = array<i32>} : memref<8x1x8x128xf32, #tpu.memory_space<vmem>>, vector<16xf32>,
        tpu.vector_store %arg11[%parallel_loop3A_596, %parallel_loop3A_597, %parallel_loop3A_598, %parallel_loop3A_599], %parallel_loop3A_594 {strides = array<i32>} : memref<8x1x8x128xf32, #tpu.memory_space<vmem>>, vector<16xf32>,
        %parallel_loop3A_601 = tpu.vector_load_idx %arg9[%add3A_440, %parallel_loop3A_511] : memref<128x64xf32, #tpu.memory_space<vmem>>[vector<16xi32>, vector<16xi32>], vector<16xf32>,
        %parallel_loop3A_602 = arith.addf %parallel_loop3A_601, %parallel_loop3A_512 : vector<16xf32>
        %parallel_loop3A_603 = arith.constant 0 : i32
        %parallel_loop3A_604 = arith.index_cast %parallel_loop3A_536 : i32 to index
        %parallel_loop3A_605 = arith.index_cast %parallel_loop3A_603 : i32 to index
        %parallel_loop3A_606 = arith.index_cast %parallel_loop3A_552 : i32 to index
        %parallel_loop3A_607 = arith.constant 96 : index
        %parallel_loop3A_608 = tpu.vector_load %arg11[%parallel_loop3A_604, %parallel_loop3A_605, %parallel_loop3A_606, %parallel_loop3A_607] {strides = array<i32>} : memref<8x1x8x128xf32, #tpu.memory_space<vmem>>, vector<16xf32>,
        tpu.vector_store %arg11[%parallel_loop3A_604, %parallel_loop3A_605, %parallel_loop3A_606, %parallel_loop3A_607], %parallel_loop3A_602 {strides = array<i32>} : memref<8x1x8x128xf32, #tpu.memory_space<vmem>>, vector<16xf32>,
        %parallel_loop3A_609 = tpu.vector_load_idx %arg9[%add3A_443, %parallel_loop3A_511] : memref<128x64xf32, #tpu.memory_space<vmem>>[vector<16xi32>, vector<16xi32>], vector<16xf32>,
        %parallel_loop3A_610 = arith.addf %parallel_loop3A_609, %parallel_loop3A_512 : vector<16xf32>
        %parallel_loop3A_611 = arith.constant 0 : i32
        %parallel_loop3A_612 = arith.index_cast %parallel_loop3A_536 : i32 to index
        %parallel_loop3A_613 = arith.index_cast %parallel_loop3A_611 : i32 to index
        %parallel_loop3A_614 = arith.index_cast %parallel_loop3A_552 : i32 to index
        %parallel_loop3A_615 = arith.constant 112 : index
        %parallel_loop3A_616 = tpu.vector_load %arg11[%parallel_loop3A_612, %parallel_loop3A_613, %parallel_loop3A_614, %parallel_loop3A_615] {strides = array<i32>} : memref<8x1x8x128xf32, #tpu.memory_space<vmem>>, vector<16xf32>,
        tpu.vector_store %arg11[%parallel_loop3A_612, %parallel_loop3A_613, %parallel_loop3A_614, %parallel_loop3A_615], %parallel_loop3A_610 {strides = array<i32>} : memref<8x1x8x128xf32, #tpu.memory_space<vmem>>, vector<16xf32>,
      } {sc.loop_unroll_factor = 2 : i64, sc.parallel_access}
      %dma_start3A_447 = arith.constant 0 : i32
      %dma_start3A_448 = arith.constant 0 : i32
      %dma_start3A_449 = arith.constant 0 : i32
      %dma_start3A_450 = tpu.memref_slice %arg5[%mul3A_413, %dma_start3A_447, %add3A, %dma_start3A_448, %dma_start3A_449] : memref<200x8x32x8x128xf32, #tpu.memory_space<hbm>> -> memref<1x8x1x8x128xf32, #tpu.memory_space<hbm>>
      %dma_start3A_451 = tpu.memref_squeeze %dma_start3A_450 : memref<1x8x1x8x128xf32, #tpu.memory_space<hbm>> -> memref<8x1x8x128xf32, #tpu.memory_space<hbm>>
      %dma_start3A_452 = arith.constant 0 : i32
      %dma_start3A_453 = arith.constant 0 : i32
      %dma_start3A_454 = arith.constant 0 : i32
      %dma_start3A_455 = tpu.memref_slice %arg5[%mul3A_413, %dma_start3A_452, %add3A, %dma_start3A_453, %dma_start3A_454] : memref<200x8x32x8x128xf32, #tpu.memory_space<hbm>> -> memref<1x8x1x8x128xf32, #tpu.memory_space<hbm>>
      %dma_start3A_456 = tpu.memref_squeeze %dma_start3A_455 : memref<1x8x1x8x128xf32, #tpu.memory_space<hbm>> -> memref<8x1x8x128xf32, #tpu.memory_space<hbm>>
      tpu.enqueue_dma source(%arg11 : memref<8x1x8x128xf32, #tpu.memory_space<vmem>>) target(%dma_start3A_456 : memref<8x1x8x128xf32, #tpu.memory_space<hbm>>) target_semaphore(%arg15 : memref<!tpu.dma_semaphore, #tpu.memory_space<semaphore_mem>>)
      %dma_wait3A_457 = arith.constant 0 : i32
      %dma_wait3A_458 = arith.constant 0 : i32
      %dma_wait3A_459 = tpu.memref_slice %arg3[%dma_wait3A_457, %dma_wait3A_458] : memref<100000x64xf32, #tpu.memory_space<hbm>> -> memref<128x64xf32, #tpu.memory_space<hbm>>
      %dma_wait3A_460 = arith.constant 0 : i32
      %dma_wait3A_461 = arith.constant 0 : i32
      %dma_wait3A_462 = tpu.memref_slice %arg3[%dma_wait3A_460, %dma_wait3A_461] : memref<100000x64xf32, #tpu.memory_space<hbm>> -> memref<128x64xf32, #tpu.memory_space<hbm>>
      tpu.wait_dma2 semaphore(%arg14 : memref<!tpu.dma_semaphore, #tpu.memory_space<semaphore_mem>>) src(%dma_wait3A_462 : memref<128x64xf32, #tpu.memory_space<hbm>>) dst(%arg10 : memref<128x64xf32, #tpu.memory_space<vmem>>)
      %add3A_463 = arith.constant 1 : i32
      %add3A_464 = arith.addi %mul3A_413, %add3A_463 : i32
      %add3A_465 = arith.constant 0 : i32
      %add3A_466 = vector.broadcast %add3A_465 : i32 to vector<16xi32>
      %add3A_467 = arith.addi %iota3A, %add3A_466 : vector<16xi32>
      %add3A_468 = arith.constant 16 : i32
      %add3A_469 = vector.broadcast %add3A_468 : i32 to vector<16xi32>
      %add3A_470 = arith.addi %iota3A, %add3A_469 : vector<16xi32>
      %add3A_471 = arith.constant 32 : i32
      %add3A_472 = vector.broadcast %add3A_471 : i32 to vector<16xi32>
      %add3A_473 = arith.addi %iota3A, %add3A_472 : vector<16xi32>
      %add3A_474 = arith.constant 48 : i32
      %add3A_475 = vector.broadcast %add3A_474 : i32 to vector<16xi32>
      %add3A_476 = arith.addi %iota3A, %add3A_475 : vector<16xi32>
      %add3A_477 = arith.constant 64 : i32
      %add3A_478 = vector.broadcast %add3A_477 : i32 to vector<16xi32>
      %add3A_479 = arith.addi %iota3A, %add3A_478 : vector<16xi32>
      %add3A_480 = arith.constant 80 : i32
      %add3A_481 = vector.broadcast %add3A_480 : i32 to vector<16xi32>
      %add3A_482 = arith.addi %iota3A, %add3A_481 : vector<16xi32>
      %add3A_483 = arith.constant 96 : i32
      %add3A_484 = vector.broadcast %add3A_483 : i32 to vector<16xi32>
      %add3A_485 = arith.addi %iota3A, %add3A_484 : vector<16xi32>
      %add3A_486 = arith.constant 112 : i32
      %add3A_487 = vector.broadcast %add3A_486 : i32 to vector<16xi32>
      %add3A_488 = arith.addi %iota3A, %add3A_487 : vector<16xi32>
      %broadcast_in_dim3A_489 = vector.broadcast %add3A_464 : i32 to vector<16xi32>
      %parallel_loop3A_490 = arith.constant 0 : i32
      %parallel_loop3A_491 = arith.constant 64 : i32
      %parallel_loop3A_492 = arith.constant 1 : i32
      scf.for %parallel_loop3A_510 = %parallel_loop3A_490 to %parallel_loop3A_491 step %parallel_loop3A_492  : i32 {
        %parallel_loop3A_511 = vector.broadcast %parallel_loop3A_510 : i32 to vector<16xi32>
        %parallel_loop3A_512 = tpu.vector_load_idx %arg8[%broadcast_in_dim3A_489, %parallel_loop3A_511] : memref<200x64xf32, #tpu.memory_space<vmem>>[vector<16xi32>, vector<16xi32>], vector<16xf32>,
        %parallel_loop3A_513 = arith.constant 8 : i32
        %parallel_loop3A_514 = arith.divsi %parallel_loop3A_510, %parallel_loop3A_513 : i32
        %parallel_loop3A_515 = arith.constant 0 : i32
        %parallel_loop3A_516 = arith.cmpi sgt, %parallel_loop3A_510, %parallel_loop3A_515 : i32
        %parallel_loop3A_517 = arith.extui %parallel_loop3A_516 : i1 to i32
        %parallel_loop3A_518 = arith.constant 0 : i32
        %parallel_loop3A_519 = arith.cmpi slt, %parallel_loop3A_510, %parallel_loop3A_518 : i32
        %parallel_loop3A_520 = arith.extui %parallel_loop3A_519 : i1 to i32
        %parallel_loop3A_521 = arith.subi %parallel_loop3A_517, %parallel_loop3A_520 : i32
        %parallel_loop3A_522 = arith.constant 0 : i32
        %parallel_loop3A_523 = arith.cmpi sgt, %parallel_loop3A_513, %parallel_loop3A_522 : i32
        %parallel_loop3A_524 = arith.extui %parallel_loop3A_523 : i1 to i32
        %parallel_loop3A_525 = arith.constant 0 : i32
        %parallel_loop3A_526 = arith.cmpi slt, %parallel_loop3A_513, %parallel_loop3A_525 : i32
        %parallel_loop3A_527 = arith.extui %parallel_loop3A_526 : i1 to i32
        %parallel_loop3A_528 = arith.subi %parallel_loop3A_524, %parallel_loop3A_527 : i32
        %parallel_loop3A_529 = arith.cmpi ne, %parallel_loop3A_521, %parallel_loop3A_528 : i32
        %parallel_loop3A_530 = arith.remsi %parallel_loop3A_510, %parallel_loop3A_513 : i32
        %parallel_loop3A_531 = arith.constant 0 : i32
        %parallel_loop3A_532 = arith.cmpi ne, %parallel_loop3A_530, %parallel_loop3A_531 : i32
        %parallel_loop3A_533 = arith.andi %parallel_loop3A_529, %parallel_loop3A_532 : i1
        %parallel_loop3A_534 = arith.constant 1 : i32
        %parallel_loop3A_535 = arith.subi %parallel_loop3A_514, %parallel_loop3A_534 : i32
        %parallel_loop3A_536 = arith.select %parallel_loop3A_533, %parallel_loop3A_535, %parallel_loop3A_514 : i32
        %parallel_loop3A_537 = arith.constant 8 : i32
        %parallel_loop3A_538 = arith.constant 0 : i32
        %parallel_loop3A_539 = arith.cmpi eq, %parallel_loop3A_537, %parallel_loop3A_538 : i32
        %parallel_loop3A_540 = arith.constant 1 : i32
        %parallel_loop3A_541 = arith.select %parallel_loop3A_539, %parallel_loop3A_540, %parallel_loop3A_537 : i32
        %parallel_loop3A_542 = arith.remsi %parallel_loop3A_510, %parallel_loop3A_541 : i32
        %parallel_loop3A_543 = arith.constant 0 : i32
        %parallel_loop3A_544 = arith.cmpi ne, %parallel_loop3A_542, %parallel_loop3A_543 : i32
        %parallel_loop3A_545 = arith.constant 0 : i32
        %parallel_loop3A_546 = arith.cmpi slt, %parallel_loop3A_542, %parallel_loop3A_545 : i32
        %parallel_loop3A_547 = arith.constant 0 : i32
        %parallel_loop3A_548 = arith.cmpi slt, %parallel_loop3A_541, %parallel_loop3A_547 : i32
        %parallel_loop3A_549 = arith.xori %parallel_loop3A_546, %parallel_loop3A_548 : i1
        %parallel_loop3A_550 = arith.andi %parallel_loop3A_549, %parallel_loop3A_544 : i1
        %parallel_loop3A_551 = arith.addi %parallel_loop3A_542, %parallel_loop3A_541 : i32
        %parallel_loop3A_552 = arith.select %parallel_loop3A_550, %parallel_loop3A_551, %parallel_loop3A_542 : i32
        %parallel_loop3A_553 = tpu.vector_load_idx %arg10[%add3A_467, %parallel_loop3A_511] : memref<128x64xf32, #tpu.memory_space<vmem>>[vector<16xi32>, vector<16xi32>], vector<16xf32>,
        %parallel_loop3A_554 = arith.addf %parallel_loop3A_553, %parallel_loop3A_512 : vector<16xf32>
        %parallel_loop3A_555 = arith.constant 0 : i32
        %parallel_loop3A_556 = arith.index_cast %parallel_loop3A_536 : i32 to index
        %parallel_loop3A_557 = arith.index_cast %parallel_loop3A_555 : i32 to index
        %parallel_loop3A_558 = arith.index_cast %parallel_loop3A_552 : i32 to index
        %parallel_loop3A_559 = arith.constant 0 : index
        %parallel_loop3A_560 = tpu.vector_load %arg12[%parallel_loop3A_556, %parallel_loop3A_557, %parallel_loop3A_558, %parallel_loop3A_559] {strides = array<i32>} : memref<8x1x8x128xf32, #tpu.memory_space<vmem>>, vector<16xf32>,
        tpu.vector_store %arg12[%parallel_loop3A_556, %parallel_loop3A_557, %parallel_loop3A_558, %parallel_loop3A_559], %parallel_loop3A_554 {strides = array<i32>} : memref<8x1x8x128xf32, #tpu.memory_space<vmem>>, vector<16xf32>,
        %parallel_loop3A_561 = tpu.vector_load_idx %arg10[%add3A_470, %parallel_loop3A_511] : memref<128x64xf32, #tpu.memory_space<vmem>>[vector<16xi32>, vector<16xi32>], vector<16xf32>,
        %parallel_loop3A_562 = arith.addf %parallel_loop3A_561, %parallel_loop3A_512 : vector<16xf32>
        %parallel_loop3A_563 = arith.constant 0 : i32
        %parallel_loop3A_564 = arith.index_cast %parallel_loop3A_536 : i32 to index
        %parallel_loop3A_565 = arith.index_cast %parallel_loop3A_563 : i32 to index
        %parallel_loop3A_566 = arith.index_cast %parallel_loop3A_552 : i32 to index
        %parallel_loop3A_567 = arith.constant 16 : index
        %parallel_loop3A_568 = tpu.vector_load %arg12[%parallel_loop3A_564, %parallel_loop3A_565, %parallel_loop3A_566, %parallel_loop3A_567] {strides = array<i32>} : memref<8x1x8x128xf32, #tpu.memory_space<vmem>>, vector<16xf32>,
        tpu.vector_store %arg12[%parallel_loop3A_564, %parallel_loop3A_565, %parallel_loop3A_566, %parallel_loop3A_567], %parallel_loop3A_562 {strides = array<i32>} : memref<8x1x8x128xf32, #tpu.memory_space<vmem>>, vector<16xf32>,
        %parallel_loop3A_569 = tpu.vector_load_idx %arg10[%add3A_473, %parallel_loop3A_511] : memref<128x64xf32, #tpu.memory_space<vmem>>[vector<16xi32>, vector<16xi32>], vector<16xf32>,
        %parallel_loop3A_570 = arith.addf %parallel_loop3A_569, %parallel_loop3A_512 : vector<16xf32>
        %parallel_loop3A_571 = arith.constant 0 : i32
        %parallel_loop3A_572 = arith.index_cast %parallel_loop3A_536 : i32 to index
        %parallel_loop3A_573 = arith.index_cast %parallel_loop3A_571 : i32 to index
        %parallel_loop3A_574 = arith.index_cast %parallel_loop3A_552 : i32 to index
        %parallel_loop3A_575 = arith.constant 32 : index
        %parallel_loop3A_576 = tpu.vector_load %arg12[%parallel_loop3A_572, %parallel_loop3A_573, %parallel_loop3A_574, %parallel_loop3A_575] {strides = array<i32>} : memref<8x1x8x128xf32, #tpu.memory_space<vmem>>, vector<16xf32>,
        tpu.vector_store %arg12[%parallel_loop3A_572, %parallel_loop3A_573, %parallel_loop3A_574, %parallel_loop3A_575], %parallel_loop3A_570 {strides = array<i32>} : memref<8x1x8x128xf32, #tpu.memory_space<vmem>>, vector<16xf32>,
        %parallel_loop3A_577 = tpu.vector_load_idx %arg10[%add3A_476, %parallel_loop3A_511] : memref<128x64xf32, #tpu.memory_space<vmem>>[vector<16xi32>, vector<16xi32>], vector<16xf32>,
        %parallel_loop3A_578 = arith.addf %parallel_loop3A_577, %parallel_loop3A_512 : vector<16xf32>
        %parallel_loop3A_579 = arith.constant 0 : i32
        %parallel_loop3A_580 = arith.index_cast %parallel_loop3A_536 : i32 to index
        %parallel_loop3A_581 = arith.index_cast %parallel_loop3A_579 : i32 to index
        %parallel_loop3A_582 = arith.index_cast %parallel_loop3A_552 : i32 to index
        %parallel_loop3A_583 = arith.constant 48 : index
        %parallel_loop3A_584 = tpu.vector_load %arg12[%parallel_loop3A_580, %parallel_loop3A_581, %parallel_loop3A_582, %parallel_loop3A_583] {strides = array<i32>} : memref<8x1x8x128xf32, #tpu.memory_space<vmem>>, vector<16xf32>,
        tpu.vector_store %arg12[%parallel_loop3A_580, %parallel_loop3A_581, %parallel_loop3A_582, %parallel_loop3A_583], %parallel_loop3A_578 {strides = array<i32>} : memref<8x1x8x128xf32, #tpu.memory_space<vmem>>, vector<16xf32>,
        %parallel_loop3A_585 = tpu.vector_load_idx %arg10[%add3A_479, %parallel_loop3A_511] : memref<128x64xf32, #tpu.memory_space<vmem>>[vector<16xi32>, vector<16xi32>], vector<16xf32>,
        %parallel_loop3A_586 = arith.addf %parallel_loop3A_585, %parallel_loop3A_512 : vector<16xf32>
        %parallel_loop3A_587 = arith.constant 0 : i32
        %parallel_loop3A_588 = arith.index_cast %parallel_loop3A_536 : i32 to index
        %parallel_loop3A_589 = arith.index_cast %parallel_loop3A_587 : i32 to index
        %parallel_loop3A_590 = arith.index_cast %parallel_loop3A_552 : i32 to index
        %parallel_loop3A_591 = arith.constant 64 : index
        %parallel_loop3A_592 = tpu.vector_load %arg12[%parallel_loop3A_588, %parallel_loop3A_589, %parallel_loop3A_590, %parallel_loop3A_591] {strides = array<i32>} : memref<8x1x8x128xf32, #tpu.memory_space<vmem>>, vector<16xf32>,
        tpu.vector_store %arg12[%parallel_loop3A_588, %parallel_loop3A_589, %parallel_loop3A_590, %parallel_loop3A_591], %parallel_loop3A_586 {strides = array<i32>} : memref<8x1x8x128xf32, #tpu.memory_space<vmem>>, vector<16xf32>,
        %parallel_loop3A_593 = tpu.vector_load_idx %arg10[%add3A_482, %parallel_loop3A_511] : memref<128x64xf32, #tpu.memory_space<vmem>>[vector<16xi32>, vector<16xi32>], vector<16xf32>,
        %parallel_loop3A_594 = arith.addf %parallel_loop3A_593, %parallel_loop3A_512 : vector<16xf32>
        %parallel_loop3A_595 = arith.constant 0 : i32
        %parallel_loop3A_596 = arith.index_cast %parallel_loop3A_536 : i32 to index
        %parallel_loop3A_597 = arith.index_cast %parallel_loop3A_595 : i32 to index
        %parallel_loop3A_598 = arith.index_cast %parallel_loop3A_552 : i32 to index
        %parallel_loop3A_599 = arith.constant 80 : index
        %parallel_loop3A_600 = tpu.vector_load %arg12[%parallel_loop3A_596, %parallel_loop3A_597, %parallel_loop3A_598, %parallel_loop3A_599] {strides = array<i32>} : memref<8x1x8x128xf32, #tpu.memory_space<vmem>>, vector<16xf32>,
        tpu.vector_store %arg12[%parallel_loop3A_596, %parallel_loop3A_597, %parallel_loop3A_598, %parallel_loop3A_599], %parallel_loop3A_594 {strides = array<i32>} : memref<8x1x8x128xf32, #tpu.memory_space<vmem>>, vector<16xf32>,
        %parallel_loop3A_601 = tpu.vector_load_idx %arg10[%add3A_485, %parallel_loop3A_511] : memref<128x64xf32, #tpu.memory_space<vmem>>[vector<16xi32>, vector<16xi32>], vector<16xf32>,
        %parallel_loop3A_602 = arith.addf %parallel_loop3A_601, %parallel_loop3A_512 : vector<16xf32>
        %parallel_loop3A_603 = arith.constant 0 : i32
        %parallel_loop3A_604 = arith.index_cast %parallel_loop3A_536 : i32 to index
        %parallel_loop3A_605 = arith.index_cast %parallel_loop3A_603 : i32 to index
        %parallel_loop3A_606 = arith.index_cast %parallel_loop3A_552 : i32 to index
        %parallel_loop3A_607 = arith.constant 96 : index
        %parallel_loop3A_608 = tpu.vector_load %arg12[%parallel_loop3A_604, %parallel_loop3A_605, %parallel_loop3A_606, %parallel_loop3A_607] {strides = array<i32>} : memref<8x1x8x128xf32, #tpu.memory_space<vmem>>, vector<16xf32>,
        tpu.vector_store %arg12[%parallel_loop3A_604, %parallel_loop3A_605, %parallel_loop3A_606, %parallel_loop3A_607], %parallel_loop3A_602 {strides = array<i32>} : memref<8x1x8x128xf32, #tpu.memory_space<vmem>>, vector<16xf32>,
        %parallel_loop3A_609 = tpu.vector_load_idx %arg10[%add3A_488, %parallel_loop3A_511] : memref<128x64xf32, #tpu.memory_space<vmem>>[vector<16xi32>, vector<16xi32>], vector<16xf32>,
        %parallel_loop3A_610 = arith.addf %parallel_loop3A_609, %parallel_loop3A_512 : vector<16xf32>
        %parallel_loop3A_611 = arith.constant 0 : i32
        %parallel_loop3A_612 = arith.index_cast %parallel_loop3A_536 : i32 to index
        %parallel_loop3A_613 = arith.index_cast %parallel_loop3A_611 : i32 to index
        %parallel_loop3A_614 = arith.index_cast %parallel_loop3A_552 : i32 to index
        %parallel_loop3A_615 = arith.constant 112 : index
        %parallel_loop3A_616 = tpu.vector_load %arg12[%parallel_loop3A_612, %parallel_loop3A_613, %parallel_loop3A_614, %parallel_loop3A_615] {strides = array<i32>} : memref<8x1x8x128xf32, #tpu.memory_space<vmem>>, vector<16xf32>,
        tpu.vector_store %arg12[%parallel_loop3A_612, %parallel_loop3A_613, %parallel_loop3A_614, %parallel_loop3A_615], %parallel_loop3A_610 {strides = array<i32>} : memref<8x1x8x128xf32, #tpu.memory_space<vmem>>, vector<16xf32>,
      } {sc.loop_unroll_factor = 2 : i64, sc.parallel_access}
      %add3A_493 = arith.constant 1 : i32
      %add3A_494 = arith.addi %mul3A_413, %add3A_493 : i32
      %dma_start3A_495 = arith.constant 0 : i32
      %dma_start3A_496 = arith.constant 0 : i32
      %dma_start3A_497 = arith.constant 0 : i32
      %dma_start3A_498 = tpu.memref_slice %arg5[%add3A_494, %dma_start3A_495, %add3A, %dma_start3A_496, %dma_start3A_497] : memref<200x8x32x8x128xf32, #tpu.memory_space<hbm>> -> memref<1x8x1x8x128xf32, #tpu.memory_space<hbm>>
      %dma_start3A_499 = tpu.memref_squeeze %dma_start3A_498 : memref<1x8x1x8x128xf32, #tpu.memory_space<hbm>> -> memref<8x1x8x128xf32, #tpu.memory_space<hbm>>
      %dma_start3A_500 = arith.constant 0 : i32
      %dma_start3A_501 = arith.constant 0 : i32
      %dma_start3A_502 = arith.constant 0 : i32
      %dma_start3A_503 = tpu.memref_slice %arg5[%add3A_494, %dma_start3A_500, %add3A, %dma_start3A_501, %dma_start3A_502] : memref<200x8x32x8x128xf32, #tpu.memory_space<hbm>> -> memref<1x8x1x8x128xf32, #tpu.memory_space<hbm>>
      %dma_start3A_504 = tpu.memref_squeeze %dma_start3A_503 : memref<1x8x1x8x128xf32, #tpu.memory_space<hbm>> -> memref<8x1x8x128xf32, #tpu.memory_space<hbm>>
      tpu.enqueue_dma source(%arg12 : memref<8x1x8x128xf32, #tpu.memory_space<vmem>>) target(%dma_start3A_504 : memref<8x1x8x128xf32, #tpu.memory_space<hbm>>) target_semaphore(%arg16 : memref<!tpu.dma_semaphore, #tpu.memory_space<semaphore_mem>>)
      %add3A_505 = arith.constant 2 : i32
      %add3A_506 = arith.addi %mul3A_413, %add3A_505 : i32
      %lt3A_507 = arith.constant 200 : i32
      %lt3A_508 = arith.cmpi slt, %add3A_506, %lt3A_507 : i32
      %convert_element_type3A = arith.extui %lt3A_508 : i1 to i32
      %cond3A = arith.constant 0 : i32
      %cond3A_509 = arith.cmpi ne, %convert_element_type3A, %cond3A : i32
      scf.if %cond3A_509 {
        %dma_wait3A_510 = arith.constant 0 : i32
        %dma_wait3A_511 = arith.constant 0 : i32
        %dma_wait3A_512 = arith.constant 0 : i32
        %dma_wait3A_513 = arith.constant 0 : i32
        %dma_wait3A_514 = tpu.memref_slice %arg5[%dma_wait3A_510, %dma_wait3A_511, %add3A, %dma_wait3A_512, %dma_wait3A_513] : memref<200x8x32x8x128xf32, #tpu.memory_space<hbm>> -> memref<1x8x1x8x128xf32, #tpu.memory_space<hbm>>
        %dma_wait3A_515 = tpu.memref_squeeze %dma_wait3A_514 : memref<1x8x1x8x128xf32, #tpu.memory_space<hbm>> -> memref<8x1x8x128xf32, #tpu.memory_space<hbm>>
        %dma_wait3A_516 = arith.constant 0 : i32
        %dma_wait3A_517 = arith.constant 0 : i32
        %dma_wait3A_518 = arith.constant 0 : i32
        %dma_wait3A_519 = tpu.memref_slice %arg5[%dma_wait3A_510, %dma_wait3A_516, %add3A, %dma_wait3A_517, %dma_wait3A_518] : memref<200x8x32x8x128xf32, #tpu.memory_space<hbm>> -> memref<1x8x1x8x128xf32, #tpu.memory_space<hbm>>
        %dma_wait3A_520 = tpu.memref_squeeze %dma_wait3A_519 : memref<1x8x1x8x128xf32, #tpu.memory_space<hbm>> -> memref<8x1x8x128xf32, #tpu.memory_space<hbm>>
        tpu.wait_dma2 semaphore(%arg15 : memref<!tpu.dma_semaphore, #tpu.memory_space<semaphore_mem>>) src(%arg11 : memref<8x1x8x128xf32, #tpu.memory_space<vmem>>) dst(%dma_wait3A_520 : memref<8x1x8x128xf32, #tpu.memory_space<hbm>>)
        %add3A_521 = arith.constant 2 : i32
        %add3A_522 = arith.addi %mul3A_413, %add3A_521 : i32
        %jit3A_523 = arith.constant 128 : i32
        %div3A_524 = arith.divsi %add3A_522, %jit3A_523 : i32
        %sign3A_525 = arith.constant 0 : i32
        %sign3A_526 = arith.cmpi sgt, %add3A_522, %sign3A_525 : i32
        %sign3A_527 = arith.extui %sign3A_526 : i1 to i32
        %sign3A_528 = arith.constant 0 : i32
        %sign3A_529 = arith.cmpi slt, %add3A_522, %sign3A_528 : i32
        %sign3A_530 = arith.extui %sign3A_529 : i1 to i32
        %sign3A_531 = arith.subi %sign3A_527, %sign3A_530 : i32
        %sign3A_532 = arith.constant 0 : i32
        %sign3A_533 = arith.cmpi sgt, %jit3A_523, %sign3A_532 : i32
        %sign3A_534 = arith.extui %sign3A_533 : i1 to i32
        %sign3A_535 = arith.constant 0 : i32
        %sign3A_536 = arith.cmpi slt, %jit3A_523, %sign3A_535 : i32
        %sign3A_537 = arith.extui %sign3A_536 : i1 to i32
        %sign3A_538 = arith.subi %sign3A_534, %sign3A_537 : i32
        %ne3A_539 = arith.cmpi ne, %sign3A_531, %sign3A_538 : i32
        %rem3A_540 = arith.remsi %add3A_522, %jit3A_523 : i32
        %ne3A_541 = arith.constant 0 : i32
        %ne3A_542 = arith.cmpi ne, %rem3A_540, %ne3A_541 : i32
        %and3A_543 = arith.andi %ne3A_539, %ne3A_542 : i1
        %sub3A_544 = arith.constant 1 : i32
        %sub3A_545 = arith.subi %div3A_524, %sub3A_544 : i32
        %select_n3A_546 = arith.select %and3A_543, %sub3A_545, %div3A_524 : i32
        %broadcast_in_dim3A_547 = vector.broadcast %select_n3A_546 : i32 to vector<16xi32>
        %jit3A_548 = arith.constant 128 : i32
        %eq3A_549 = arith.constant 0 : i32
        %eq3A_550 = arith.cmpi eq, %jit3A_548, %eq3A_549 : i32
        %jit3A_551 = arith.constant 1 : i32
        %select_n3A_552 = arith.select %eq3A_550, %jit3A_551, %jit3A_548 : i32
        %rem3A_553 = arith.remsi %add3A_522, %select_n3A_552 : i32
        %ne3A_554 = arith.constant 0 : i32
        %ne3A_555 = arith.cmpi ne, %rem3A_553, %ne3A_554 : i32
        %lt3A_556 = arith.constant 0 : i32
        %lt3A_557 = arith.cmpi slt, %rem3A_553, %lt3A_556 : i32
        %lt3A_558 = arith.constant 0 : i32
        %lt3A_559 = arith.cmpi slt, %select_n3A_552, %lt3A_558 : i32
        %ne3A_560 = arith.xori %lt3A_557, %lt3A_559 : i1
        %and3A_561 = arith.andi %ne3A_560, %ne3A_555 : i1
        %add3A_562 = arith.addi %rem3A_553, %select_n3A_552 : i32
        %select_n3A_563 = arith.select %and3A_561, %add3A_562, %rem3A_553 : i32
        %broadcast_in_dim3A_564 = vector.broadcast %select_n3A_563 : i32 to vector<16xi32>
        %gather3A_565 = tpu.vector_load_idx %arg6[%add3A_28, %broadcast_in_dim3A_547, %select_n3A_286, %broadcast_in_dim3A_564] : memref<16x2x8x128xi32, #tpu.memory_space<vmem>>[vector<16xi32>, vector<16xi32>, vector<16xi32>, vector<16xi32>], vector<16xi32>,
        %swap3A_566 = arith.constant 0 : i32
        %swap3A_567 = arith.index_cast %swap3A_566 : i32 to index
        %swap3A_568 = arith.constant 0 : index
        %swap3A_569 = tpu.vector_load %arg7[%swap3A_567, %swap3A_568] {strides = array<i32>} : memref<2x128xi32, #tpu.memory_space<vmem>>, vector<16xi32>,
        tpu.vector_store %arg7[%swap3A_567, %swap3A_568], %gather3A_565 {strides = array<i32>} : memref<2x128xi32, #tpu.memory_space<vmem>>, vector<16xi32>,
        %gather3A_570 = tpu.vector_load_idx %arg6[%add3A_62, %broadcast_in_dim3A_547, %select_n3A_286, %broadcast_in_dim3A_564] : memref<16x2x8x128xi32, #tpu.memory_space<vmem>>[vector<16xi32>, vector<16xi32>, vector<16xi32>, vector<16xi32>], vector<16xi32>,
        %swap3A_571 = arith.constant 0 : i32
        %swap3A_572 = arith.index_cast %swap3A_571 : i32 to index
        %swap3A_573 = arith.constant 16 : index
        %swap3A_574 = tpu.vector_load %arg7[%swap3A_572, %swap3A_573] {strides = array<i32>} : memref<2x128xi32, #tpu.memory_space<vmem>>, vector<16xi32>,
        tpu.vector_store %arg7[%swap3A_572, %swap3A_573], %gather3A_570 {strides = array<i32>} : memref<2x128xi32, #tpu.memory_space<vmem>>, vector<16xi32>,
        %gather3A_575 = tpu.vector_load_idx %arg6[%add3A_96, %broadcast_in_dim3A_547, %select_n3A_286, %broadcast_in_dim3A_564] : memref<16x2x8x128xi32, #tpu.memory_space<vmem>>[vector<16xi32>, vector<16xi32>, vector<16xi32>, vector<16xi32>], vector<16xi32>,
        %swap3A_576 = arith.constant 0 : i32
        %swap3A_577 = arith.index_cast %swap3A_576 : i32 to index
        %swap3A_578 = arith.constant 32 : index
        %swap3A_579 = tpu.vector_load %arg7[%swap3A_577, %swap3A_578] {strides = array<i32>} : memref<2x128xi32, #tpu.memory_space<vmem>>, vector<16xi32>,
        tpu.vector_store %arg7[%swap3A_577, %swap3A_578], %gather3A_575 {strides = array<i32>} : memref<2x128xi32, #tpu.memory_space<vmem>>, vector<16xi32>,
        %gather3A_580 = tpu.vector_load_idx %arg6[%add3A_130, %broadcast_in_dim3A_547, %select_n3A_286, %broadcast_in_dim3A_564] : memref<16x2x8x128xi32, #tpu.memory_space<vmem>>[vector<16xi32>, vector<16xi32>, vector<16xi32>, vector<16xi32>], vector<16xi32>,
        %swap3A_581 = arith.constant 0 : i32
        %swap3A_582 = arith.index_cast %swap3A_581 : i32 to index
        %swap3A_583 = arith.constant 48 : index
        %swap3A_584 = tpu.vector_load %arg7[%swap3A_582, %swap3A_583] {strides = array<i32>} : memref<2x128xi32, #tpu.memory_space<vmem>>, vector<16xi32>,
        tpu.vector_store %arg7[%swap3A_582, %swap3A_583], %gather3A_580 {strides = array<i32>} : memref<2x128xi32, #tpu.memory_space<vmem>>, vector<16xi32>,
        %gather3A_585 = tpu.vector_load_idx %arg6[%add3A_164, %broadcast_in_dim3A_547, %select_n3A_286, %broadcast_in_dim3A_564] : memref<16x2x8x128xi32, #tpu.memory_space<vmem>>[vector<16xi32>, vector<16xi32>, vector<16xi32>, vector<16xi32>], vector<16xi32>,
        %swap3A_586 = arith.constant 0 : i32
        %swap3A_587 = arith.index_cast %swap3A_586 : i32 to index
        %swap3A_588 = arith.constant 64 : index
        %swap3A_589 = tpu.vector_load %arg7[%swap3A_587, %swap3A_588] {strides = array<i32>} : memref<2x128xi32, #tpu.memory_space<vmem>>, vector<16xi32>,
        tpu.vector_store %arg7[%swap3A_587, %swap3A_588], %gather3A_585 {strides = array<i32>} : memref<2x128xi32, #tpu.memory_space<vmem>>, vector<16xi32>,
        %gather3A_590 = tpu.vector_load_idx %arg6[%add3A_198, %broadcast_in_dim3A_547, %select_n3A_286, %broadcast_in_dim3A_564] : memref<16x2x8x128xi32, #tpu.memory_space<vmem>>[vector<16xi32>, vector<16xi32>, vector<16xi32>, vector<16xi32>], vector<16xi32>,
        %swap3A_591 = arith.constant 0 : i32
        %swap3A_592 = arith.index_cast %swap3A_591 : i32 to index
        %swap3A_593 = arith.constant 80 : index
        %swap3A_594 = tpu.vector_load %arg7[%swap3A_592, %swap3A_593] {strides = array<i32>} : memref<2x128xi32, #tpu.memory_space<vmem>>, vector<16xi32>,
        tpu.vector_store %arg7[%swap3A_592, %swap3A_593], %gather3A_590 {strides = array<i32>} : memref<2x128xi32, #tpu.memory_space<vmem>>, vector<16xi32>,
        %gather3A_595 = tpu.vector_load_idx %arg6[%add3A_232, %broadcast_in_dim3A_547, %select_n3A_286, %broadcast_in_dim3A_564] : memref<16x2x8x128xi32, #tpu.memory_space<vmem>>[vector<16xi32>, vector<16xi32>, vector<16xi32>, vector<16xi32>], vector<16xi32>,
        %swap3A_596 = arith.constant 0 : i32
        %swap3A_597 = arith.index_cast %swap3A_596 : i32 to index
        %swap3A_598 = arith.constant 96 : index
        %swap3A_599 = tpu.vector_load %arg7[%swap3A_597, %swap3A_598] {strides = array<i32>} : memref<2x128xi32, #tpu.memory_space<vmem>>, vector<16xi32>,
        tpu.vector_store %arg7[%swap3A_597, %swap3A_598], %gather3A_595 {strides = array<i32>} : memref<2x128xi32, #tpu.memory_space<vmem>>, vector<16xi32>,
        %gather3A_600 = tpu.vector_load_idx %arg6[%add3A_266, %broadcast_in_dim3A_547, %select_n3A_286, %broadcast_in_dim3A_564] : memref<16x2x8x128xi32, #tpu.memory_space<vmem>>[vector<16xi32>, vector<16xi32>, vector<16xi32>, vector<16xi32>], vector<16xi32>,
        %swap3A_601 = arith.constant 0 : i32
        %swap3A_602 = arith.index_cast %swap3A_601 : i32 to index
        %swap3A_603 = arith.constant 112 : index
        %swap3A_604 = tpu.vector_load %arg7[%swap3A_602, %swap3A_603] {strides = array<i32>} : memref<2x128xi32, #tpu.memory_space<vmem>>, vector<16xi32>,
        tpu.vector_store %arg7[%swap3A_602, %swap3A_603], %gather3A_600 {strides = array<i32>} : memref<2x128xi32, #tpu.memory_space<vmem>>, vector<16xi32>,
        %dma_start3A_605 = arith.constant 0 : i32
        %dma_start3A_606 = arith.constant 0 : i32
        %dma_start3A_607 = tpu.memref_slice %arg7[%dma_start3A_605, %dma_start3A_606] : memref<2x128xi32, #tpu.memory_space<vmem>> -> memref<1x128xi32, #tpu.memory_space<vmem>>
        %dma_start3A_608 = tpu.memref_squeeze %dma_start3A_607 : memref<1x128xi32, #tpu.memory_space<vmem>> -> memref<128xi32, #tpu.memory_space<vmem>>
        %dma_start3A_609 = arith.constant 0 : i32
        %dma_start3A_610 = arith.constant 0 : i32
        %dma_start3A_611 = tpu.memref_slice %arg3[%dma_start3A_609, %dma_start3A_610] : memref<100000x64xf32, #tpu.memory_space<hbm>> -> memref<100000x64xf32, #tpu.memory_space<hbm>>
        tpu.enqueue_indirect_dma source(%dma_start3A_611 : memref<100000x64xf32, #tpu.memory_space<hbm>>) target(%arg9 : memref<128x64xf32, #tpu.memory_space<vmem>>) offsets(%dma_start3A_608 : memref<128xi32, #tpu.memory_space<vmem>>) semaphore(%arg13 : memref<!tpu.dma_semaphore, #tpu.memory_space<semaphore_mem>>)
        %dma_wait3A_612 = arith.constant 0 : i32
        %dma_wait3A_613 = arith.constant 0 : i32
        %dma_wait3A_614 = arith.constant 0 : i32
        %dma_wait3A_615 = arith.constant 0 : i32
        %dma_wait3A_616 = tpu.memref_slice %arg5[%dma_wait3A_612, %dma_wait3A_613, %add3A, %dma_wait3A_614, %dma_wait3A_615] : memref<200x8x32x8x128xf32, #tpu.memory_space<hbm>> -> memref<1x8x1x8x128xf32, #tpu.memory_space<hbm>>
        %dma_wait3A_617 = tpu.memref_squeeze %dma_wait3A_616 : memref<1x8x1x8x128xf32, #tpu.memory_space<hbm>> -> memref<8x1x8x128xf32, #tpu.memory_space<hbm>>
        %dma_wait3A_618 = arith.constant 0 : i32
        %dma_wait3A_619 = arith.constant 0 : i32
        %dma_wait3A_620 = arith.constant 0 : i32
        %dma_wait3A_621 = tpu.memref_slice %arg5[%dma_wait3A_612, %dma_wait3A_618, %add3A, %dma_wait3A_619, %dma_wait3A_620] : memref<200x8x32x8x128xf32, #tpu.memory_space<hbm>> -> memref<1x8x1x8x128xf32, #tpu.memory_space<hbm>>
        %dma_wait3A_622 = tpu.memref_squeeze %dma_wait3A_621 : memref<1x8x1x8x128xf32, #tpu.memory_space<hbm>> -> memref<8x1x8x128xf32, #tpu.memory_space<hbm>>
        tpu.wait_dma2 semaphore(%arg16 : memref<!tpu.dma_semaphore, #tpu.memory_space<semaphore_mem>>) src(%arg12 : memref<8x1x8x128xf32, #tpu.memory_space<vmem>>) dst(%dma_wait3A_622 : memref<8x1x8x128xf32, #tpu.memory_space<hbm>>)
        %add3A_623 = arith.constant 3 : i32
        %add3A_624 = arith.addi %mul3A_413, %add3A_623 : i32
        %jit3A_625 = arith.constant 128 : i32
        %div3A_626 = arith.divsi %add3A_624, %jit3A_625 : i32
        %sign3A_627 = arith.constant 0 : i32
        %sign3A_628 = arith.cmpi sgt, %add3A_624, %sign3A_627 : i32
        %sign3A_629 = arith.extui %sign3A_628 : i1 to i32
        %sign3A_630 = arith.constant 0 : i32
        %sign3A_631 = arith.cmpi slt, %add3A_624, %sign3A_630 : i32
        %sign3A_632 = arith.extui %sign3A_631 : i1 to i32
        %sign3A_633 = arith.subi %sign3A_629, %sign3A_632 : i32
        %sign3A_634 = arith.constant 0 : i32
        %sign3A_635 = arith.cmpi sgt, %jit3A_625, %sign3A_634 : i32
        %sign3A_636 = arith.extui %sign3A_635 : i1 to i32
        %sign3A_637 = arith.constant 0 : i32
        %sign3A_638 = arith.cmpi slt, %jit3A_625, %sign3A_637 : i32
        %sign3A_639 = arith.extui %sign3A_638 : i1 to i32
        %sign3A_640 = arith.subi %sign3A_636, %sign3A_639 : i32
        %ne3A_641 = arith.cmpi ne, %sign3A_633, %sign3A_640 : i32
        %rem3A_642 = arith.remsi %add3A_624, %jit3A_625 : i32
        %ne3A_643 = arith.constant 0 : i32
        %ne3A_644 = arith.cmpi ne, %rem3A_642, %ne3A_643 : i32
        %and3A_645 = arith.andi %ne3A_641, %ne3A_644 : i1
        %sub3A_646 = arith.constant 1 : i32
        %sub3A_647 = arith.subi %div3A_626, %sub3A_646 : i32
        %select_n3A_648 = arith.select %and3A_645, %sub3A_647, %div3A_626 : i32
        %broadcast_in_dim3A_649 = vector.broadcast %select_n3A_648 : i32 to vector<16xi32>
        %jit3A_650 = arith.constant 128 : i32
        %eq3A_651 = arith.constant 0 : i32
        %eq3A_652 = arith.cmpi eq, %jit3A_650, %eq3A_651 : i32
        %jit3A_653 = arith.constant 1 : i32
        %select_n3A_654 = arith.select %eq3A_652, %jit3A_653, %jit3A_650 : i32
        %rem3A_655 = arith.remsi %add3A_624, %select_n3A_654 : i32
        %ne3A_656 = arith.constant 0 : i32
        %ne3A_657 = arith.cmpi ne, %rem3A_655, %ne3A_656 : i32
        %lt3A_658 = arith.constant 0 : i32
        %lt3A_659 = arith.cmpi slt, %rem3A_655, %lt3A_658 : i32
        %lt3A_660 = arith.constant 0 : i32
        %lt3A_661 = arith.cmpi slt, %select_n3A_654, %lt3A_660 : i32
        %ne3A_662 = arith.xori %lt3A_659, %lt3A_661 : i1
        %and3A_663 = arith.andi %ne3A_662, %ne3A_657 : i1
        %add3A_664 = arith.addi %rem3A_655, %select_n3A_654 : i32
        %select_n3A_665 = arith.select %and3A_663, %add3A_664, %rem3A_655 : i32
        %broadcast_in_dim3A_666 = vector.broadcast %select_n3A_665 : i32 to vector<16xi32>
        %gather3A_667 = tpu.vector_load_idx %arg6[%add3A_28, %broadcast_in_dim3A_649, %select_n3A_286, %broadcast_in_dim3A_666] : memref<16x2x8x128xi32, #tpu.memory_space<vmem>>[vector<16xi32>, vector<16xi32>, vector<16xi32>, vector<16xi32>], vector<16xi32>,
        %swap3A_668 = arith.constant 1 : i32
        %swap3A_669 = arith.index_cast %swap3A_668 : i32 to index
        %swap3A_670 = arith.constant 0 : index
        %swap3A_671 = tpu.vector_load %arg7[%swap3A_669, %swap3A_670] {strides = array<i32>} : memref<2x128xi32, #tpu.memory_space<vmem>>, vector<16xi32>,
        tpu.vector_store %arg7[%swap3A_669, %swap3A_670], %gather3A_667 {strides = array<i32>} : memref<2x128xi32, #tpu.memory_space<vmem>>, vector<16xi32>,
        %gather3A_672 = tpu.vector_load_idx %arg6[%add3A_62, %broadcast_in_dim3A_649, %select_n3A_286, %broadcast_in_dim3A_666] : memref<16x2x8x128xi32, #tpu.memory_space<vmem>>[vector<16xi32>, vector<16xi32>, vector<16xi32>, vector<16xi32>], vector<16xi32>,
        %swap3A_673 = arith.constant 1 : i32
        %swap3A_674 = arith.index_cast %swap3A_673 : i32 to index
        %swap3A_675 = arith.constant 16 : index
        %swap3A_676 = tpu.vector_load %arg7[%swap3A_674, %swap3A_675] {strides = array<i32>} : memref<2x128xi32, #tpu.memory_space<vmem>>, vector<16xi32>,
        tpu.vector_store %arg7[%swap3A_674, %swap3A_675], %gather3A_672 {strides = array<i32>} : memref<2x128xi32, #tpu.memory_space<vmem>>, vector<16xi32>,
        %gather3A_677 = tpu.vector_load_idx %arg6[%add3A_96, %broadcast_in_dim3A_649, %select_n3A_286, %broadcast_in_dim3A_666] : memref<16x2x8x128xi32, #tpu.memory_space<vmem>>[vector<16xi32>, vector<16xi32>, vector<16xi32>, vector<16xi32>], vector<16xi32>,
        %swap3A_678 = arith.constant 1 : i32
        %swap3A_679 = arith.index_cast %swap3A_678 : i32 to index
        %swap3A_680 = arith.constant 32 : index
        %swap3A_681 = tpu.vector_load %arg7[%swap3A_679, %swap3A_680] {strides = array<i32>} : memref<2x128xi32, #tpu.memory_space<vmem>>, vector<16xi32>,
        tpu.vector_store %arg7[%swap3A_679, %swap3A_680], %gather3A_677 {strides = array<i32>} : memref<2x128xi32, #tpu.memory_space<vmem>>, vector<16xi32>,
        %gather3A_682 = tpu.vector_load_idx %arg6[%add3A_130, %broadcast_in_dim3A_649, %select_n3A_286, %broadcast_in_dim3A_666] : memref<16x2x8x128xi32, #tpu.memory_space<vmem>>[vector<16xi32>, vector<16xi32>, vector<16xi32>, vector<16xi32>], vector<16xi32>,
        %swap3A_683 = arith.constant 1 : i32
        %swap3A_684 = arith.index_cast %swap3A_683 : i32 to index
        %swap3A_685 = arith.constant 48 : index
        %swap3A_686 = tpu.vector_load %arg7[%swap3A_684, %swap3A_685] {strides = array<i32>} : memref<2x128xi32, #tpu.memory_space<vmem>>, vector<16xi32>,
        tpu.vector_store %arg7[%swap3A_684, %swap3A_685], %gather3A_682 {strides = array<i32>} : memref<2x128xi32, #tpu.memory_space<vmem>>, vector<16xi32>,
        %gather3A_687 = tpu.vector_load_idx %arg6[%add3A_164, %broadcast_in_dim3A_649, %select_n3A_286, %broadcast_in_dim3A_666] : memref<16x2x8x128xi32, #tpu.memory_space<vmem>>[vector<16xi32>, vector<16xi32>, vector<16xi32>, vector<16xi32>], vector<16xi32>,
        %swap3A_688 = arith.constant 1 : i32
        %swap3A_689 = arith.index_cast %swap3A_688 : i32 to index
        %swap3A_690 = arith.constant 64 : index
        %swap3A_691 = tpu.vector_load %arg7[%swap3A_689, %swap3A_690] {strides = array<i32>} : memref<2x128xi32, #tpu.memory_space<vmem>>, vector<16xi32>,
        tpu.vector_store %arg7[%swap3A_689, %swap3A_690], %gather3A_687 {strides = array<i32>} : memref<2x128xi32, #tpu.memory_space<vmem>>, vector<16xi32>,
        %gather3A_692 = tpu.vector_load_idx %arg6[%add3A_198, %broadcast_in_dim3A_649, %select_n3A_286, %broadcast_in_dim3A_666] : memref<16x2x8x128xi32, #tpu.memory_space<vmem>>[vector<16xi32>, vector<16xi32>, vector<16xi32>, vector<16xi32>], vector<16xi32>,
        %swap3A_693 = arith.constant 1 : i32
        %swap3A_694 = arith.index_cast %swap3A_693 : i32 to index
        %swap3A_695 = arith.constant 80 : index
        %swap3A_696 = tpu.vector_load %arg7[%swap3A_694, %swap3A_695] {strides = array<i32>} : memref<2x128xi32, #tpu.memory_space<vmem>>, vector<16xi32>,
        tpu.vector_store %arg7[%swap3A_694, %swap3A_695], %gather3A_692 {strides = array<i32>} : memref<2x128xi32, #tpu.memory_space<vmem>>, vector<16xi32>,
        %gather3A_697 = tpu.vector_load_idx %arg6[%add3A_232, %broadcast_in_dim3A_649, %select_n3A_286, %broadcast_in_dim3A_666] : memref<16x2x8x128xi32, #tpu.memory_space<vmem>>[vector<16xi32>, vector<16xi32>, vector<16xi32>, vector<16xi32>], vector<16xi32>,
        %swap3A_698 = arith.constant 1 : i32
        %swap3A_699 = arith.index_cast %swap3A_698 : i32 to index
        %swap3A_700 = arith.constant 96 : index
        %swap3A_701 = tpu.vector_load %arg7[%swap3A_699, %swap3A_700] {strides = array<i32>} : memref<2x128xi32, #tpu.memory_space<vmem>>, vector<16xi32>,
        tpu.vector_store %arg7[%swap3A_699, %swap3A_700], %gather3A_697 {strides = array<i32>} : memref<2x128xi32, #tpu.memory_space<vmem>>, vector<16xi32>,
        %gather3A_702 = tpu.vector_load_idx %arg6[%add3A_266, %broadcast_in_dim3A_649, %select_n3A_286, %broadcast_in_dim3A_666] : memref<16x2x8x128xi32, #tpu.memory_space<vmem>>[vector<16xi32>, vector<16xi32>, vector<16xi32>, vector<16xi32>], vector<16xi32>,
        %swap3A_703 = arith.constant 1 : i32
        %swap3A_704 = arith.index_cast %swap3A_703 : i32 to index
        %swap3A_705 = arith.constant 112 : index
        %swap3A_706 = tpu.vector_load %arg7[%swap3A_704, %swap3A_705] {strides = array<i32>} : memref<2x128xi32, #tpu.memory_space<vmem>>, vector<16xi32>,
        tpu.vector_store %arg7[%swap3A_704, %swap3A_705], %gather3A_702 {strides = array<i32>} : memref<2x128xi32, #tpu.memory_space<vmem>>, vector<16xi32>,
        %dma_start3A_707 = arith.constant 1 : i32
        %dma_start3A_708 = arith.constant 0 : i32
        %dma_start3A_709 = tpu.memref_slice %arg7[%dma_start3A_707, %dma_start3A_708] : memref<2x128xi32, #tpu.memory_space<vmem>> -> memref<1x128xi32, #tpu.memory_space<vmem>>
        %dma_start3A_710 = tpu.memref_squeeze %dma_start3A_709 : memref<1x128xi32, #tpu.memory_space<vmem>> -> memref<128xi32, #tpu.memory_space<vmem>>
        %dma_start3A_711 = arith.constant 0 : i32
        %dma_start3A_712 = arith.constant 0 : i32
        %dma_start3A_713 = tpu.memref_slice %arg3[%dma_start3A_711, %dma_start3A_712] : memref<100000x64xf32, #tpu.memory_space<hbm>> -> memref<100000x64xf32, #tpu.memory_space<hbm>>
        tpu.enqueue_indirect_dma source(%dma_start3A_713 : memref<100000x64xf32, #tpu.memory_space<hbm>>) target(%arg10 : memref<128x64xf32, #tpu.memory_space<vmem>>) offsets(%dma_start3A_710 : memref<128xi32, #tpu.memory_space<vmem>>) semaphore(%arg14 : memref<!tpu.dma_semaphore, #tpu.memory_space<semaphore_mem>>)
      } else {
      }
    }
    %scan3A_389 = arith.constant 100 : i32
    %dma_wait3A = arith.constant 0 : i32
    %dma_wait3A_390 = arith.constant 0 : i32
    %dma_wait3A_391 = arith.constant 0 : i32
    %dma_wait3A_392 = arith.constant 0 : i32
    %dma_wait3A_393 = tpu.memref_slice %arg5[%dma_wait3A, %dma_wait3A_390, %add3A, %dma_wait3A_391, %dma_wait3A_392] : memref<200x8x32x8x128xf32, #tpu.memory_space<hbm>> -> memref<1x8x1x8x128xf32, #tpu.memory_space<hbm>>
    %dma_wait3A_394 = tpu.memref_squeeze %dma_wait3A_393 : memref<1x8x1x8x128xf32, #tpu.memory_space<hbm>> -> memref<8x1x8x128xf32, #tpu.memory_space<hbm>>
    %dma_wait3A_395 = arith.constant 0 : i32
    %dma_wait3A_396 = arith.constant 0 : i32
    %dma_wait3A_397 = arith.constant 0 : i32
    %dma_wait3A_398 = tpu.memref_slice %arg5[%dma_wait3A, %dma_wait3A_395, %add3A, %dma_wait3A_396, %dma_wait3A_397] : memref<200x8x32x8x128xf32, #tpu.memory_space<hbm>> -> memref<1x8x1x8x128xf32, #tpu.memory_space<hbm>>
    %dma_wait3A_399 = tpu.memref_squeeze %dma_wait3A_398 : memref<1x8x1x8x128xf32, #tpu.memory_space<hbm>> -> memref<8x1x8x128xf32, #tpu.memory_space<hbm>>
    tpu.wait_dma2 semaphore(%arg15 : memref<!tpu.dma_semaphore, #tpu.memory_space<semaphore_mem>>) src(%arg11 : memref<8x1x8x128xf32, #tpu.memory_space<vmem>>) dst(%dma_wait3A_399 : memref<8x1x8x128xf32, #tpu.memory_space<hbm>>)
    %dma_wait3A_400 = arith.constant 0 : i32
    %dma_wait3A_401 = arith.constant 0 : i32
    %dma_wait3A_402 = arith.constant 0 : i32
    %dma_wait3A_403 = arith.constant 0 : i32
    %dma_wait3A_404 = tpu.memref_slice %arg5[%dma_wait3A_400, %dma_wait3A_401, %add3A, %dma_wait3A_402, %dma_wait3A_403] : memref<200x8x32x8x128xf32, #tpu.memory_space<hbm>> -> memref<1x8x1x8x128xf32, #tpu.memory_space<hbm>>
    %dma_wait3A_405 = tpu.memref_squeeze %dma_wait3A_404 : memref<1x8x1x8x128xf32, #tpu.memory_space<hbm>> -> memref<8x1x8x128xf32, #tpu.memory_space<hbm>>
    %dma_wait3A_406 = arith.constant 0 : i32
    %dma_wait3A_407 = arith.constant 0 : i32
    %dma_wait3A_408 = arith.constant 0 : i32
    %dma_wait3A_409 = tpu.memref_slice %arg5[%dma_wait3A_400, %dma_wait3A_406, %add3A, %dma_wait3A_407, %dma_wait3A_408] : memref<200x8x32x8x128xf32, #tpu.memory_space<hbm>> -> memref<1x8x1x8x128xf32, #tpu.memory_space<hbm>>
    %dma_wait3A_410 = tpu.memref_squeeze %dma_wait3A_409 : memref<1x8x1x8x128xf32, #tpu.memory_space<hbm>> -> memref<8x1x8x128xf32, #tpu.memory_space<hbm>>
    tpu.wait_dma2 semaphore(%arg16 : memref<!tpu.dma_semaphore, #tpu.memory_space<semaphore_mem>>) src(%arg12 : memref<8x1x8x128xf32, #tpu.memory_space<vmem>>) dst(%dma_wait3A_410 : memref<8x1x8x128xf32, #tpu.memory_space<hbm>>)
    return
  }
}

</mosaic_0001>

<sc_bundles>
// kernel: kernel.3.cloned.1.call-start
scs
__scs_entry_jumppad:
0x0: {  	(pc) =	sbr.rel $0x88, $3  }
0x1: {  	(tag) =	ssettag $0x0;
	lr =	simm.s32 $0x1  }
0x2: {  	[smem:$0x3F9E] =	sst lr;
	_ =	strace $0xD0000000  }
0x3: {  	_ = 	snop  }
0x4: {  	_ = 	snop  }
0x5: {  	_ = 	snop  }
0x6: {  	_ = 	snop  }
0x7: {  	_ = 	snop  }
__scs_overlays_trampoline_lowered:
0x8: {  	[smem:$0x3FAD] =	sst s0  }
0x9: {  	[smem:$0x3FAE] =	sst s1  }
0xa: {  	[smem:$0x3FAF] =	sst s2  }
0xb: {  	[smem:$0x3FB0] =	sst s3  }
0xc: {  	[smem:$0x3FB1] =	sst s4  }
0xd: {  	[smem:$0x3FB2] =	sst s5  }
0xe: {  	[smem:$0x3FB3] =	sst s6  }
0xf: {  	[smem:$0x3FB4] =	sst s7  }
0x10: {  	[smem:$0x3FB5] =	sst s8  }
0x11: {  	[smem:$0x3FB6] =	sst s9;
	s0 =	simm.s32 @!p0 $0x0  }
0x12: {  	s1 =	sld [smem:$0x3F9C];
	s0 =	simm.s32 @p0 $0x1  }
0x13: {  	[smem:$0x3FB7] =	sst s0;
	s0 =	simm.s32 @!p1 $0x0  }
0x14: {  	s2 =	sld [smem:$0x3F9B];
	s0 =	simm.s32 @p1 $0x1  }
0x15: {  	[smem:$0x3FB8] =	sst s0;
	s0 =	simm.s32 @!p2 $0x0  }
0x16: {  	s3 =	sld [smem:$0x3FDB];
	s0 =	simm.s32 @p2 $0x1  }
0x17: {  	s4 =	simm.s32 $0x1BF5;
	[smem:$0x3FBA] =	sst s0  }
0x18: {  	s0 =	sld [smem:$0x3F9D];
	_ =	swait.ge [sflag:s4], $0x0  }
0x19: {  	s7 =	sld [smem:$0x3F9E]  }
0x1a: {  	s8 =	sadd.s32 $0xFFFFE003, lr  }
0x1b: {  	s9 =	sadd.s32 $0xFFFFFEF7, lr;
	s5 =	simm.s32 $0xFFFFFFFF;
	p2 =	slt.u32 s8, $0xFFFFF086  }
0x1c: {  	p1 =	slt.u32 s9, $0xF7A;
	s5 =	simm.s32 @!p2 $0x0  }
0x1d: {  	s5 =	simm.s32 @p1 $0x1;
	p0 =	seq.s32 s7, s2  }
0x1e: {  	s7 =	smul.u32 @!p0 $0xF7A, s2;
	p2 =	seq.s32 @!p0 s5, $0x0  }
0x1f: {  	s9 =	smul.u32 $0xF7A, s1;
	s8 =	simm.s32 @!p0 $0x1BF5;
	p2 =	por !p2, p0  }
0x20: {  	[sflag:s8] =	ssyncset.s32 @!p0 $0xFFFFF086;
	s6 =	sadd.s32 @!p0 s3, s7;
	s7 =	simm.s32 @!p0 $0x108  }
0x21: {  	s3 =	sadd.s32 s3, s9;
	s6 =	sadd.s32 @!p0 $0x88, s6;
	s7 =	simm.s32 @p2 $0x1082  }
0x22: {  	[simem:s7], [sflag:s8] =	dma.local @!p0 [hbm:s6], $0xF7A  }
0x23: {  	s9 =	sor.u32 $0xD0000000, s2;
	s6 =	simm.s32 $0x108;
	_ =	swait.ge @!p0 [sflag:s8], $0x0  }
0x24: {  	s3 =	sadd.s32 $0x88, s3;
	s6 =	simm.s32 @!p1 $0x1082;
	[sflag:s4] =	ssyncset.s32 $0xFFFFF086  }
0x25: {  	[simem:s6], [sflag:s4] =	dma.local [hbm:s3], $0xF7A  }
0x26: {  	[smem:$0x3F9E] =	sst s1;
	(tag) =	ssettag s2;
	_ =	strace s9  }
0x27: {  	s1 =	sld [smem:$0x3FAE]  }
0x28: {  	s2 =	sld [smem:$0x3FAF]  }
0x29: {  	s4 =	sld [smem:$0x3FB1]  }
0x2a: {  	p0 =	seq.s32 s5, $0x0;
	s5 =	sld [smem:$0x3FB2]  }
0x2b: {  	s6 =	sld [smem:$0x3FB3]  }
0x2c: {  	s7 =	sld [smem:$0x3FB4]  }
0x2d: {  	s3 =	simm.s32 $0x108;
	s8 =	sld [smem:$0x3FB5]  }
0x2e: {  	s3 =	simm.s32 @!p0 $0x1082;
	s9 =	sld [smem:$0x3FB6]  }
0x2f: {  	lr =	sadd.s32 s0, s3;
	s0 =	sld [smem:$0x3FAD]  }
0x30: {  	s3 =	sld [smem:$0x3FB0]  }
0x31: {  	[smem:$0x3FB9] =	sst s10  }
0x32: {  	s10 =	sld [smem:$0x3FB7];
	_ =	sdelay $0x3  }
0x33: {  	p0 =	seq.s32 s10, $0x1;
	s10 =	sld [smem:$0x3FB9];
	_ =	sdelay $0x3  }
0x34: {  	[smem:$0x3FB9] =	sst s10  }
0x35: {  	s10 =	sld [smem:$0x3FB8];
	_ =	sdelay $0x3  }
0x36: {  	p1 =	seq.s32 s10, $0x1;
	s10 =	sld [smem:$0x3FB9];
	_ =	sdelay $0x3  }
0x37: {  	[smem:$0x3FB9] =	sst s10  }
0x38: {  	s10 =	sld [smem:$0x3FBA]  }
0x39: {  	_ = 	snop;
	(pc) =	sbr.ind lr, $3  }
0x3a: {  	_ = 	snop  }
0x3b: {  	_ = 	snop  }
0x3c: {  	p2 =	seq.s32 s10, $0x1;
	s10 =	sld [smem:$0x3FB9]  }
0x3d: {  	_ =	shalt  }
0x3e: {  	_ =	shalt  }
0x3f: {  	_ =	shalt  }
0x40: {  	_ =	shalt  }
0x41: {  	_ =	shalt  }
0x42: {  	_ =	shalt  }
0x43: {  	_ =	shalt  }
0x44: {  	_ =	shalt  }
0x45: {  	_ =	shalt  }
0x46: {  	_ =	shalt  }
0x47: {  	_ =	shalt  }
0x48: {  	_ =	shalt  }
0x49: {  	_ =	shalt  }
0x4a: {  	_ =	shalt  }
0x4b: {  	_ =	shalt  }
0x4c: {  	_ =	shalt  }
0x4d: {  	_ =	shalt  }
0x4e: {  	_ =	shalt  }
0x4f: {  	_ =	shalt  }
0x50: {  	_ =	shalt  }
0x51: {  	_ =	shalt  }
0x52: {  	_ =	shalt  }
0x53: {  	_ =	shalt  }
0x54: {  	_ =	shalt  }
0x55: {  	_ =	shalt  }
0x56: {  	_ =	shalt  }
0x57: {  	_ =	shalt  }
0x58: {  	_ =	shalt  }
0x59: {  	_ =	shalt  }
0x5a: {  	_ =	shalt  }
0x5b: {  	_ =	shalt  }
0x5c: {  	_ =	shalt  }
0x5d: {  	_ =	shalt  }
0x5e: {  	_ =	shalt  }
0x5f: {  	_ =	shalt  }
0x60: {  	_ =	shalt  }
0x61: {  	_ =	shalt  }
0x62: {  	_ =	shalt  }
0x63: {  	_ =	shalt  }
0x64: {  	_ =	shalt  }
0x65: {  	_ =	shalt  }
0x66: {  	_ =	shalt  }
0x67: {  	_ =	shalt  }
0x68: {  	_ =	shalt  }
0x69: {  	_ =	shalt  }
0x6a: {  	_ =	shalt  }
0x6b: {  	_ =	shalt  }
0x6c: {  	_ =	shalt  }
0x6d: {  	_ =	shalt  }
0x6e: {  	_ =	shalt  }
0x6f: {  	_ =	shalt  }
0x70: {  	_ =	shalt  }
0x71: {  	_ =	shalt  }
0x72: {  	_ =	shalt  }
0x73: {  	_ =	shalt  }
0x74: {  	_ =	shalt  }
0x75: {  	_ =	shalt  }
0x76: {  	_ =	shalt  }
0x77: {  	_ =	shalt  }
0x78: {  	_ =	shalt  }
0x79: {  	_ =	shalt  }
0x7a: {  	_ =	shalt  }
0x7b: {  	_ =	shalt  }
0x7c: {  	_ =	shalt  }
0x7d: {  	_ =	shalt  }
0x7e: {  	_ =	shalt  }
0x7f: {  	_ =	shalt  }
0x80: {  	_ =	shalt  }
0x81: {  	_ =	shalt  }
0x82: {  	_ =	shalt  }
0x83: {  	_ =	shalt  }
0x84: {  	_ =	shalt  }
0x85: {  	_ =	shalt  }
0x86: {  	_ =	shalt  }
0x87: {  	_ =	shalt  }
.Lfunc_end0:
.L_simem_size_0:
called_computation_lowered:
.L_overlay_start_0:
0x88: {  	s2 =	sld [smem:$0x3FD9]  }
0x89: {  	s3 =	sld [smem:$0x3FFE];
	_ =	sdelay $0x1  }
0x8a: {  	s1 =	srdreg.scid  }
0x8b: {  	s0 =	sand.u32 $0x1, s1  }
0x8c: {  	s17 =	sshll.u32 s0, $0xA;
	s2 =	sadd.s32 s3, s2  }
0x8d: {  	s2 =	sadd.s32 s2, s17  }
0x8e: {  	[smem:$0x3FC5] =	sst s2  }
0x8f: {  	_ = 	snop  }
0x90: {  	s2 =	sld [smem:$0x3FD0];
	(tm) =	ssettm $0x1  }
0x91: {  	s18 =	sld [smem:$0x3FFB];
	_ =	sdelay $0x3  }
0x92: {  	_ =	strace s18  }
0x93: {  	s3 =	sld [smem:$0x3FFC];
	_ =	sdelay $0x3  }
0x94: {  	_ =	strace s3  }
0x95: {  	s3 =	sld [smem:$0x3FFD];
	_ =	sdelay $0x3  }
0x96: {  	_ =	strace s3  }
0x97: {  	_ =	strace $0x8FFFFFFF  }
0x98: {  	s19 =	sld [smem:$0x3FDB];
	_ =	sdelay $0x1  }
0x99: {  	s4 =	simm.s32 $_scs_section_size  }
0x9a: {  	s5 =	simm.s32 $_size__tile_overlayer_lowered;
	s6 =	simm.s32 $_tile_overlayer_lowered  }
0x9b: {  	s22 =	simm.s32 $0x1BFF;
	s21 =	sshll.u32 s6, $0x1;
	s3 =	sadd.s32 s4, s19  }
0x9c: {  	s7 =	simm.s32 $0x0;
	s20 =	sshll.u32 s5, $0x1;
	s5 =	sadd.s32 s21, s3  }
0x9d: {  	[timem:s7], [sflag:s22] =	dma.local [hbm:s5], s20  }
0x9e: {  	_ =	swait.ge [sflag:s22], s20  }
0x9f: {  	s4 =	ssub.s32 $0x0, s20;
	[sflag:s22] =	ssyncset.done $0x0  }
0xa0: {  	[sflag:s22] =	ssyncadd.s32 s4;
	_ =	sdelay $0x1  }
0xa1: {  	s23 =	simm.s32 $0x1B8B  }
0xa2: {  	_ =	swait.ge [sflag:s23], $0x1  }
0xa3: {  	[sflag:s23] =	ssyncset.done $0x0  }
0xa4: {  	s25 =	simm.s32 $0x1B8E;
	s24 =	sld [smem:$0x3FFE];
	[sflag:s23] =	ssyncadd.s32 $0xFFFFFFFF  }
0xa5: {  	s26 =	simm.s32 $execute0_lowered;
	[smem:$0x3FD2] =	sst s25  }
0xa6: {  	s5 =	sshll.u32 s26, $0x1;
	_ =	strace $0x80000046;
	[dreg:$0x1] =	wrdreg $0xFFFFFFFF  }
0xa7: {  	s28 =	simm.s32 $_size_execute0_lowered;
	s3 =	sadd.s32 s3, s5;
	[dreg:$0x0] =	wrdreg $0x0  }
0xa8: {  	s5 =	sshll.u32 s28, $0x1;
	[dreg:$0x2] =	wrdreg s3  }
0xa9: {  	[dreg:$0x3] =	wrdreg s5  }
0xaa: {  	[dreg:$0x4] =	wrdreg $0xC0  }
0xab: {  	_ =	task [dreg:s7], $0x5FFFF  }
0xac: {  	[dreg:$0x1] =	wrdreg $0xFFFFFFFF  }
0xad: {  	[dreg:$0x0] =	wrdreg $0x60  }
0xae: {  	[dreg:$0x2] =	wrdreg s24  }
0xaf: {  	[dreg:$0x3] =	wrdreg s2  }
0xb0: {  	[dreg:$0x4] =	wrdreg $0x9  }
0xb1: {  	_ =	task.clear_ibuf [dreg:s7], $0x5FFFF;
	_ =	strace $0x90000046  }
0xb2: {  	s29 =	simm.s32 $0x9;
	_ =	strace $0x80000048  }
0xb3: {  	_ =	swait.ge [sflag:s29], $0x1  }
0xb4: {  	[sflag:s29] =	ssyncadd.s32 $0xFFFFFFFF  }
0xb5: {  	_ =	strace $0x90000048  }
0xb6: {  	_ =	sfence  }
0xb7: {  	s30 =	sld [smem:$0x0];
	_ =	sdelay $0x2  }
0xb8: {  	s31 =	sshll.u32 s1, $0xD;
	s1 =	sshrl.u32 s1, $0x2  }
0xb9: {  	s3 =	sand.u32 $0x4000, s31;
	s1 =	sadd.s32 s1, s30  }
0xba: {  	s0 =	sor.u32 s3, s0;
	s1 =	sshll.u32 s1, $0x11  }
0xbb: {  	s0 =	sor.u32 s1, s0  }
0xbc: {  	s0 =	sadd.s32 $0x8F2B, s0  }
0xbd: {  	[sflag:s0] =	ssyncadd.remote.s32 $0x1  }
0xbe: {  	_ =	sfence.sel $0xFFFF  }
0xbf: {  	[dreg:$0x0] =	wrdreg $0xFFFFFFFF;
	(pc) =	sbr.abs _section_cstart, $3  }
0xc0: {  	[dreg:$0x1] =	wrdreg $0xFFFFFFFF  }
0xc1: {  	_ =	task.clear_ibuf [dreg:s7], $0x2FFFF;
	_ =	strace $0x9FFFFFFF  }
0xc2: {  	(tm) =	ssettm $0x7FFFFFFF  }
0xc3: {  	_ =	shalt  }
tec
execute0_lowered:
.L_overlay_start_1:
0x0: {  	(tag) =	ssettag $0x1  }
0x1: {  	v0 =	vimm.s32 $0xB80  }
0x2: {  	vm14 =	vcmask $0x300;
	vm13 =	vcmask $0x704;
	vm12 =	vcmask $0xB08  }
0x3: {  	vm11 =	vcmask $0xF0C;
	vm10 =	vcmask $0x1310;
	vm9 =	vcmask $0x1714  }
0x4: {  	vm8 =	vcmask $0x1B18;
	vm7 =	vcmask $0x1F1C;
	vm6 =	vcmask $0x2320  }
0x5: {  	vm5 =	vcmask $0x2724;
	vm4 =	vcmask $0x2B28;
	vm3 =	vcmask $0x2F2C  }
0x6: {  	vm2 =	vcmask $0x3330;
	vm0 =	vcmask $0x3734;
	v1 =	vimm.s32 $0x1B80  }
0x7: {  	vm1 =	vcmask $0x3B38;
	v2 =	vimm.s32 $0x2B80;
	v3 =	vimm.s32 $0x3B80  }
0x8: {  	v4 =	vimm.s32 $0x4B80;
	v5 =	vimm.s32 $0x5B80;
	v6 =	vimm.s32 $0x6B80  }
0x9: {  	v7 =	vimm.s32 $0x7B80;
	v8 =	vimm.s32 $0xB81;
	v9 =	vimm.s32 $0x1B81  }
0xa: {  	v10 =	vimm.s32 $0x2B81;
	v11 =	vimm.s32 $0x3B81;
	v12 =	vimm.s32 $0x4B81  }
0xb: {  	v13 =	vimm.s32 $0x5B81;
	v14 =	vimm.s32 $0x6B81;
	v15 =	vimm.s32 $0x7B81  }
0xc: {  	v0 =	vsel vm14, $0x0, v0;
	v1 =	vsel vm14, $0x1000, v1;
	v2 =	vsel vm14, $0x2000, v2  }
0xd: {  	v3 =	vsel vm14, $0x3000, v3;
	v4 =	vsel vm14, $0x4000, v4;
	v5 =	vsel vm14, $0x5000, v5  }
0xe: {  	v6 =	vsel vm14, $0x6000, v6;
	v7 =	vsel vm14, $0x7000, v7;
	v8 =	vsel vm14, $0x1, v8  }
0xf: {  	v9 =	vsel vm14, $0x1001, v9;
	v10 =	vsel vm14, $0x2001, v10;
	v11 =	vsel vm14, $0x3001, v11  }
0x10: {  	v12 =	vsel vm14, $0x4001, v12;
	v13 =	vsel vm14, $0x5001, v13;
	v14 =	vsel vm14, $0x6001, v14  }
0x11: {  	v15 =	vsel vm14, $0x7001, v15;
	v0 =	vsel vm13, $0x80, v0;
	v1 =	vsel vm13, $0x1080, v1  }
0x12: {  	v2 =	vsel vm13, $0x2080, v2;
	v3 =	vsel vm13, $0x3080, v3;
	v4 =	vsel vm13, $0x4080, v4  }
0x13: {  	v5 =	vsel vm13, $0x5080, v5;
	v6 =	vsel vm13, $0x6080, v6;
	v7 =	vsel vm13, $0x7080, v7  }
0x14: {  	v8 =	vsel vm13, $0x81, v8;
	v9 =	vsel vm13, $0x1081, v9;
	v10 =	vsel vm13, $0x2081, v10  }
0x15: {  	v11 =	vsel vm13, $0x3081, v11;
	v12 =	vsel vm13, $0x4081, v12;
	v13 =	vsel vm13, $0x5081, v13  }
0x16: {  	v14 =	vsel vm13, $0x6081, v14;
	v15 =	vsel vm13, $0x7081, v15;
	v0 =	vsel vm12, $0x100, v0  }
0x17: {  	v1 =	vsel vm12, $0x1100, v1;
	v2 =	vsel vm12, $0x2100, v2;
	v3 =	vsel vm12, $0x3100, v3  }
0x18: {  	v4 =	vsel vm12, $0x4100, v4;
	v5 =	vsel vm12, $0x5100, v5;
	v6 =	vsel vm12, $0x6100, v6  }
0x19: {  	v7 =	vsel vm12, $0x7100, v7;
	v8 =	vsel vm12, $0x101, v8;
	v9 =	vsel vm12, $0x1101, v9  }
0x1a: {  	v10 =	vsel vm12, $0x2101, v10;
	v11 =	vsel vm12, $0x3101, v11;
	v12 =	vsel vm12, $0x4101, v12  }
0x1b: {  	v13 =	vsel vm12, $0x5101, v13;
	v14 =	vsel vm12, $0x6101, v14;
	v15 =	vsel vm12, $0x7101, v15  }
0x1c: {  	v0 =	vsel vm11, $0x180, v0;
	v1 =	vsel vm11, $0x1180, v1;
	v2 =	vsel vm11, $0x2180, v2  }
0x1d: {  	v3 =	vsel vm11, $0x3180, v3;
	v4 =	vsel vm11, $0x4180, v4;
	v5 =	vsel vm11, $0x5180, v5  }
0x1e: {  	v6 =	vsel vm11, $0x6180, v6;
	v7 =	vsel vm11, $0x7180, v7;
	v8 =	vsel vm11, $0x181, v8  }
0x1f: {  	v9 =	vsel vm11, $0x1181, v9;
	v10 =	vsel vm11, $0x2181, v10;
	v11 =	vsel vm11, $0x3181, v11  }
0x20: {  	v12 =	vsel vm11, $0x4181, v12;
	v13 =	vsel vm11, $0x5181, v13;
	v14 =	vsel vm11, $0x6181, v14  }
0x21: {  	v15 =	vsel vm11, $0x7181, v15;
	v0 =	vsel vm10, $0x200, v0;
	v1 =	vsel vm10, $0x1200, v1  }
0x22: {  	v2 =	vsel vm10, $0x2200, v2;
	v3 =	vsel vm10, $0x3200, v3;
	v4 =	vsel vm10, $0x4200, v4  }
0x23: {  	v5 =	vsel vm10, $0x5200, v5;
	v6 =	vsel vm10, $0x6200, v6;
	v7 =	vsel vm10, $0x7200, v7  }
0x24: {  	v8 =	vsel vm10, $0x201, v8;
	v9 =	vsel vm10, $0x1201, v9;
	v10 =	vsel vm10, $0x2201, v10  }
0x25: {  	v11 =	vsel vm10, $0x3201, v11;
	v12 =	vsel vm10, $0x4201, v12;
	v13 =	vsel vm10, $0x5201, v13  }
0x26: {  	v14 =	vsel vm10, $0x6201, v14;
	v15 =	vsel vm10, $0x7201, v15;
	v0 =	vsel vm9, $0x280, v0  }
0x27: {  	v1 =	vsel vm9, $0x1280, v1;
	v2 =	vsel vm9, $0x2280, v2;
	v3 =	vsel vm9, $0x3280, v3  }
0x28: {  	v4 =	vsel vm9, $0x4280, v4;
	v5 =	vsel vm9, $0x5280, v5;
	v6 =	vsel vm9, $0x6280, v6  }
0x29: {  	v7 =	vsel vm9, $0x7280, v7;
	v8 =	vsel vm9, $0x281, v8;
	v9 =	vsel vm9, $0x1281, v9  }
0x2a: {  	v10 =	vsel vm9, $0x2281, v10;
	v11 =	vsel vm9, $0x3281, v11;
	v12 =	vsel vm9, $0x4281, v12  }
0x2b: {  	v13 =	vsel vm9, $0x5281, v13;
	v14 =	vsel vm9, $0x6281, v14;
	v15 =	vsel vm9, $0x7281, v15  }
0x2c: {  	v0 =	vsel vm8, $0x300, v0;
	v1 =	vsel vm8, $0x1300, v1;
	v2 =	vsel vm8, $0x2300, v2  }
0x2d: {  	v3 =	vsel vm8, $0x3300, v3;
	v4 =	vsel vm8, $0x4300, v4;
	v5 =	vsel vm8, $0x5300, v5  }
0x2e: {  	v6 =	vsel vm8, $0x6300, v6;
	v7 =	vsel vm8, $0x7300, v7;
	v8 =	vsel vm8, $0x301, v8  }
0x2f: {  	v9 =	vsel vm8, $0x1301, v9;
	v10 =	vsel vm8, $0x2301, v10;
	v11 =	vsel vm8, $0x3301, v11  }
0x30: {  	v12 =	vsel vm8, $0x4301, v12;
	v13 =	vsel vm8, $0x5301, v13;
	v14 =	vsel vm8, $0x6301, v14  }
0x31: {  	v15 =	vsel vm8, $0x7301, v15;
	v0 =	vsel vm7, $0x380, v0;
	v1 =	vsel vm7, $0x1380, v1  }
0x32: {  	v2 =	vsel vm7, $0x2380, v2;
	v3 =	vsel vm7, $0x3380, v3;
	v4 =	vsel vm7, $0x4380, v4  }
0x33: {  	v5 =	vsel vm7, $0x5380, v5;
	v6 =	vsel vm7, $0x6380, v6;
	v7 =	vsel vm7, $0x7380, v7  }
0x34: {  	v8 =	vsel vm7, $0x381, v8;
	v9 =	vsel vm7, $0x1381, v9;
	v10 =	vsel vm7, $0x2381, v10  }
0x35: {  	v11 =	vsel vm7, $0x3381, v11;
	v12 =	vsel vm7, $0x4381, v12;
	v13 =	vsel vm7, $0x5381, v13  }
0x36: {  	v14 =	vsel vm7, $0x6381, v14;
	v15 =	vsel vm7, $0x7381, v15;
	v0 =	vsel vm6, $0x800, v0  }
0x37: {  	v1 =	vsel vm6, $0x1800, v1;
	v2 =	vsel vm6, $0x2800, v2;
	v3 =	vsel vm6, $0x3800, v3  }
0x38: {  	v4 =	vsel vm6, $0x4800, v4;
	v5 =	vsel vm6, $0x5800, v5;
	v6 =	vsel vm6, $0x6800, v6  }
0x39: {  	v7 =	vsel vm6, $0x7800, v7;
	v8 =	vsel vm6, $0x801, v8;
	v9 =	vsel vm6, $0x1801, v9  }
0x3a: {  	v10 =	vsel vm6, $0x2801, v10;
	v11 =	vsel vm6, $0x3801, v11;
	v12 =	vsel vm6, $0x4801, v12  }
0x3b: {  	v13 =	vsel vm6, $0x5801, v13;
	v14 =	vsel vm6, $0x6801, v14;
	v15 =	vsel vm6, $0x7801, v15  }
0x3c: {  	v0 =	vsel vm5, $0x880, v0;
	v1 =	vsel vm5, $0x1880, v1;
	v2 =	vsel vm5, $0x2880, v2  }
0x3d: {  	v3 =	vsel vm5, $0x3880, v3;
	v4 =	vsel vm5, $0x4880, v4;
	v5 =	vsel vm5, $0x5880, v5  }
0x3e: {  	v6 =	vsel vm5, $0x6880, v6;
	v7 =	vsel vm5, $0x7880, v7;
	v8 =	vsel vm5, $0x881, v8  }
0x3f: {  	v9 =	vsel vm5, $0x1881, v9;
	v10 =	vsel vm5, $0x2881, v10;
	v11 =	vsel vm5, $0x3881, v11  }
0x40: {  	v12 =	vsel vm5, $0x4881, v12;
	v13 =	vsel vm5, $0x5881, v13;
	v14 =	vsel vm5, $0x6881, v14  }
0x41: {  	v15 =	vsel vm5, $0x7881, v15;
	v0 =	vsel vm4, $0x900, v0;
	v1 =	vsel vm4, $0x1900, v1  }
0x42: {  	v2 =	vsel vm4, $0x2900, v2;
	v3 =	vsel vm4, $0x3900, v3;
	v4 =	vsel vm4, $0x4900, v4  }
0x43: {  	v5 =	vsel vm4, $0x5900, v5;
	v6 =	vsel vm4, $0x6900, v6;
	v7 =	vsel vm4, $0x7900, v7  }
0x44: {  	v8 =	vsel vm4, $0x901, v8;
	v9 =	vsel vm4, $0x1901, v9;
	v10 =	vsel vm4, $0x2901, v10  }
0x45: {  	v11 =	vsel vm4, $0x3901, v11;
	v12 =	vsel vm4, $0x4901, v12;
	v13 =	vsel vm4, $0x5901, v13  }
0x46: {  	v0 =	vsel vm3, $0x980, v0;
	v1 =	vsel vm3, $0x1980, v1;
	v2 =	vsel vm3, $0x2980, v2  }
0x47: {  	v3 =	vsel vm3, $0x3980, v3;
	v4 =	vsel vm3, $0x4980, v4;
	v5 =	vsel vm3, $0x5980, v5  }
0x48: {  	v6 =	vsel vm3, $0x6980, v6;
	v7 =	vsel vm3, $0x7980, v7;
	v8 =	vsel vm3, $0x981, v8  }
0x49: {  	v9 =	vsel vm3, $0x1981, v9;
	v10 =	vsel vm3, $0x2981, v10;
	v11 =	vsel vm3, $0x3981, v11  }
0x4a: {  	v12 =	vsel vm3, $0x4981, v12;
	v13 =	vsel vm3, $0x5981, v13;
	v0 =	vsel vm2, $0xA00, v0  }
0x4b: {  	v1 =	vsel vm2, $0x1A00, v1;
	v2 =	vsel vm2, $0x2A00, v2;
	v3 =	vsel vm2, $0x3A00, v3  }
0x4c: {  	v4 =	vsel vm2, $0x4A00, v4;
	v5 =	vsel vm2, $0x5A00, v5;
	v6 =	vsel vm2, $0x6A00, v6  }
0x4d: {  	v7 =	vsel vm2, $0x7A00, v7;
	v8 =	vsel vm2, $0xA01, v8;
	v9 =	vsel vm2, $0x1A01, v9  }
0x4e: {  	v10 =	vsel vm2, $0x2A01, v10;
	v11 =	vsel vm2, $0x3A01, v11;
	v12 =	vsel vm2, $0x4A01, v12  }
0x4f: {  	v13 =	vsel vm2, $0x5A01, v13;
	v0 =	vsel vm0, $0xA80, v0;
	v1 =	vsel vm0, $0x1A80, v1  }
0x50: {  	v2 =	vsel vm0, $0x2A80, v2;
	v3 =	vsel vm0, $0x3A80, v3;
	v4 =	vsel vm0, $0x4A80, v4  }
0x51: {  	v5 =	vsel vm0, $0x5A80, v5;
	v6 =	vsel vm0, $0x6A80, v6;
	v7 =	vsel vm0, $0x7A80, v7  }
0x52: {  	s0 =	rddreg [dreg:$0x0];
	s1 =	srdreg.scid;
	v8 =	vsel vm0, $0xA81, v8;
	v9 =	vsel vm0, $0x1A81, v9;
	v10 =	vsel vm0, $0x2A81, v10  }
0x53: {  	s3 =	stileid.u32;
	s2 =	rddreg [dreg:$0x1];
	v11 =	vsel vm0, $0x3A81, v11;
	v12 =	vsel vm0, $0x4A81, v12;
	v16 =	vsel vm0, $0x5A81, v13  }
0x54: {  	s9 =	simm.s32 $0x8100;
	s11 =	simm.s32 $0x80;
	s12 =	simm.s32 $0x8000;
	v13 =	vsel vm4, $0x6901, v14;
	v14 =	vsel vm4, $0x7901, v15;
	v15 =	vlaneseq.u32  }
0x55: {  	s13 =	simm.s32 $0xB300;
	s15 =	simm.s32 $0xD300;
	s16 =	simm.s32 $0x1;
	v0 =	vsel vm1, $0xB00, v0;
	v1 =	vsel vm1, $0x1B00, v1;
	v2 =	vsel vm1, $0x2B00, v2  }
0x56: {  	s17 =	simm.s32 $0x400;
	s18 =	simm.s32 $0xF300;
	s19 =	simm.s32 $0x2;
	v3 =	vsel vm1, $0x3B00, v3;
	v4 =	vsel vm1, $0x4B00, v4;
	v5 =	vsel vm1, $0x5B00, v5  }
0x57: {  	s20 =	simm.s32 $0x11300;
	s1 =	sand.u32 $0x1, s1;
	s4 =	sshll.u32 s3, $0x1;
	v6 =	vsel vm1, $0x6B00, v6;
	v7 =	vsel vm1, $0x7B00, v7;
	v8 =	vsel vm1, $0xB01, v8  }
0x58: {  	s21 =	simm.s32 $0x3;
	s3 =	simm.s32 $0x0;
	s5 =	sor.u32 s1, s4;
	v9 =	vsel vm1, $0x1B01, v9;
	v10 =	vsel vm1, $0x2B01, v10;
	v11 =	vsel vm1, $0x3B01, v11  }
0x59: {  	[smem:$0x7FF] =	sst s3;
	s1 =	ssub.s32 $0x2, s1;
	s4 =	sshll.u32 s5, $0xC;
	v12 =	vsel vm1, $0x4B01, v12;
	v13 =	vsel vm3, $0x6981, v13;
	v14 =	vsel vm3, $0x7981, v14  }
.Ltmp0:
0x5a: {  	_ =	strace $0x80000047;
	s7 =	sshrl.u32 s1, $0x1;
	v17 =	vsel vm2, $0x6A01, v13;
	v18 =	vsel vm2, $0x7A01, v14;
	v13 =	vmul.u32 $0x40, v15;
	(pc) =	sbr.rel .LBB2_1-.Ltmp0, $4  }
0x5b: {  	s6 =	sadd.s32 s4, s0;
	s4 =	sadd.s32 $0xC00, s0;
	s0 =	sadd.s32 $0x400, s0;
	v14 =	vsel vm1, $0x5B01, v16;
	v15 =	vsel vm0, $0x6A81, v17;
	v16 =	vsel vm0, $0x7A81, v18  }
0x5c: {  	s30 =	ssub.s32 s1, s7;
	[dreg:$0x3] =	wrdreg s0;
	s31 =	sadd.s32 $0xC4200, s6;
	v15 =	vsel vm1, $0x6B01, v15;
	v16 =	vsel vm1, $0x7B01, v16;
	v17 =	vor.u32 $0x400, v13  }
0x5d: {  	s22 =	simm.s32 $0x4;
	s0 =	smax.u32 s30, $0x1;
	[dreg:$0x4] =	wrdreg s31;
	v18 =	vor.u32 $0x800, v13;
	v19 =	vor.u32 $0xC00, v13;
	v20 =	vor.u32 $0x1000, v13  }
0x5e: {  	s7 =	sshll.u32 s5, $0xA;
	s1 =	simm.s32 $0x0;
	[dreg:$0x5] =	wrdreg s0;
	v21 =	vor.u32 $0x1400, v13;
	v22 =	vor.u32 $0x1800, v13;
	v23 =	vor.u32 $0x1C00, v13  }
.LBB2_8:
0x5f: {  	_ =	swait.ge [sflag:s21], $0x2000  }
0x60: {  	[sflag:s21] =	ssyncset.done $0x0  }
0x61: {  	[sflag:s21] =	ssyncadd.s32 $0xFFFFE000  }
0x62: {  	_ =	swait.ge [sflag:s22], $0x2000  }
0x63: {  	s1 =	rddreg [dreg:$0x6]  }
0x64: {  	s0 =	rddreg [dreg:$0x5];
	s1 =	sadd.s32 $0x1, s1  }
0x65: {  	p0 =	sne.s32 s1, s0  }
.Ltmp1:
0x66: {  	_ = 	snop;
	(pc) =	sbr.rel @!p0 .LBB2_9-.Ltmp1, $3  }
0x67: {  	_ =	sdelay $0x1  }
0x68: {  	[sflag:s22] =	ssyncset.done $0x0  }
0x69: {  	[sflag:s22] =	ssyncadd.s32 $0xFFFFE000  }
.LBB2_1:
0x6a: {  	[dreg:$0x6] =	wrdreg s1  }
0x6b: {  	s0 =	rddreg [dreg:$0x3];
	s29 =	simm.s32 $0x5  }
0x6c: {  	[tilespmem:s9], [sflag:$0x5] =	stream.linear.gather [hbm4b:s0+s3], $0x3200, $0x38;
	[tilespmem:$0x13300] =	vst v63  }
0x6d: {  	_ =	swait.ge [sflag:s29], $0x3200  }
0x6e: {  	[sflag:s29] =	ssyncset.done $0x0  }
0x6f: {  	s30 =	rddreg [dreg:$0x4];
	[sflag:s29] =	ssyncadd.s32 $0xFFFFCE00  }
0x70: {  	[tilespmem:s3], [sflag:$0x5] =	stream.linear.gather [hbm4b:s30+s3], $0x8000, $0x38;
	[tilespmem:$0x13300] =	vst v63  }
0x71: {  	_ =	swait.ge [sflag:s29], $0x8000  }
0x72: {  	[sflag:s29] =	ssyncset.done $0x0  }
0x73: {  	[sflag:s29] =	ssyncadd.s32 $0xFFFF8000  }
0x74: {  	v24 =	vld.idx.msk [tilespmem:v0+s3+$0x0], $0xffff;
	_ =	sdelay $0x4  }
0x75: {  	[tilespmem:$0x8000] =	vst v24  }
0x76: {  	v24 =	vld.idx.msk [tilespmem:v1+s3+$0x0], $0xffff;
	_ =	sdelay $0x4  }
0x77: {  	[tilespmem:$0x8010] =	vst v24  }
0x78: {  	v24 =	vld.idx.msk [tilespmem:v2+s3+$0x0], $0xffff;
	_ =	sdelay $0x4  }
0x79: {  	[tilespmem:$0x8020] =	vst v24  }
0x7a: {  	v24 =	vld.idx.msk [tilespmem:v3+s3+$0x0], $0xffff;
	_ =	sdelay $0x4  }
0x7b: {  	[tilespmem:$0x8030] =	vst v24  }
0x7c: {  	v24 =	vld.idx.msk [tilespmem:v4+s3+$0x0], $0xffff;
	_ =	sdelay $0x4  }
0x7d: {  	[tilespmem:$0x8040] =	vst v24  }
0x7e: {  	v24 =	vld.idx.msk [tilespmem:v5+s3+$0x0], $0xffff;
	_ =	sdelay $0x4  }
0x7f: {  	[tilespmem:$0x8050] =	vst v24  }
0x80: {  	v24 =	vld.idx.msk [tilespmem:v6+s3+$0x0], $0xffff;
	_ =	sdelay $0x4  }
0x81: {  	[tilespmem:$0x8060] =	vst v24  }
0x82: {  	v24 =	vld.idx.msk [tilespmem:v7+s3+$0x0], $0xffff;
	_ =	sdelay $0x4  }
0x83: {  	[tilespmem:$0x8070] =	vst v24  }
0x84: {  	[tilespmem:s13], [sflag:$0x1] =	stream.indirect.gather [hbm4b:s4+s11], $0x40, s12, s11, $0xb8;
	[tilespmem:$0x13300] =	vst v63  }
0x85: {  	v24 =	vld.idx.msk [tilespmem:v8+s3+$0x0], $0xffff;
	_ =	sdelay $0x4  }
0x86: {  	[tilespmem:$0x8080] =	vst v24  }
0x87: {  	v24 =	vld.idx.msk [tilespmem:v9+s3+$0x0], $0xffff;
	_ =	sdelay $0x4  }
0x88: {  	[tilespmem:$0x8090] =	vst v24  }
0x89: {  	v24 =	vld.idx.msk [tilespmem:v10+s3+$0x0], $0xffff;
	_ =	sdelay $0x4  }
0x8a: {  	[tilespmem:$0x80A0] =	vst v24  }
0x8b: {  	v24 =	vld.idx.msk [tilespmem:v11+s3+$0x0], $0xffff;
	_ =	sdelay $0x4  }
0x8c: {  	[tilespmem:$0x80B0] =	vst v24  }
0x8d: {  	v24 =	vld.idx.msk [tilespmem:v12+s3+$0x0], $0xffff;
	_ =	sdelay $0x4  }
0x8e: {  	[tilespmem:$0x80C0] =	vst v24  }
0x8f: {  	v24 =	vld.idx.msk [tilespmem:v14+s3+$0x0], $0xffff;
	_ =	sdelay $0x4  }
0x90: {  	[tilespmem:$0x80D0] =	vst v24  }
0x91: {  	v24 =	vld.idx.msk [tilespmem:v15+s3+$0x0], $0xffff;
	_ =	sdelay $0x4  }
0x92: {  	[tilespmem:$0x80E0] =	vst v24  }
0x93: {  	v24 =	vld.idx.msk [tilespmem:v16+s3+$0x0], $0xffff;
	_ =	sdelay $0x4  }
0x94: {  	s31 =	simm.s32 $0x8080;
	s24 =	simm.s32 $0x0;
	[tilespmem:$0x80F0] =	vst v24  }
0x95: {  	[tilespmem:s15], [sflag:$0x2] =	stream.indirect.gather [hbm4b:s4+s11], $0x40, s31, s11, $0xb8;
	[tilespmem:$0x13300] =	vst v63  }
.LBB2_2:
0x96: {  	s0 =	simm.s32 $0x0  }
0x97: {  	v24 =	vmov s0  }
0x98: {  	v24 =	vand.u32 $0x3E, v24  }
0x99: {  	s1 =	sshll.u32 s24, $0x7;
	v39 =	vbroadcast v24, $0x0  }
0x9a: {  	s5 =	simm.s32 $0x1;
	v36 =	vmov s1  }
0x9b: {  	v25 =	vmov s5;
	v24 =	vor.u32 v36, v39  }
0x9c: {  	v25 =	vand.u32 $0x3F, v25;
	v26 =	vor.u32 v13, v39  }
0x9d: {  	_ =	swait.ge [sflag:s16], $0x2000;
	v41 =	vbroadcast v25, $0x0  }
0x9e: {  	[sflag:s16] =	ssyncset.done $0x0  }
0x9f: {  	[sflag:s16] =	ssyncadd.s32 $0xFFFFE000;
	v25 =	vor.u32 v36, v41  }
0xa0: {  	v32 =	vld.idx.msk [tilespmem:v24+s9+$0x0], $0xffff;
	v24 =	vor.u32 v13, v41  }
0xa1: {  	v26 =	vld.idx.msk [tilespmem:v26+s13+$0x0], $0xffff;
	_ =	sdelay $0x2  }
0xa2: {  	v27 =	vld.idx.msk [tilespmem:v25+s9+$0x0], $0xffff;
	v25 =	vor.u32 v17, v39  }
0xa3: {  	s6 =	simm.s32 $0x2;
	v24 =	vld.idx.msk [tilespmem:v24+s13+$0x0], $0xffff  }
0xa4: {  	v28 =	vmov s6;
	v29 =	vadd.f32 v26, v32  }
0xa5: {  	s30 =	simm.s32 $0xF340;
	v26 =	vand.u32 $0x3E, v28  }
0xa6: {  	v26 =	vbroadcast v26, $0x0;
	[tilespmem:s30+$0xFFFFFFC0] =	vst v29;
	v29 =	vor.u32 v17, v41  }
0xa7: {  	s8 =	simm.s32 $0x80;
	s1 =	simm.s32 $0x0;
	s5 =	simm.s32 $0x3;
	v25 =	vld.idx.msk [tilespmem:v25+s13+$0x0], $0xffff  }
0xa8: {  	s0 =	sand.u32 $0x380, s8;
	s1 =	sand.u32 $0x1C00, s1;
	v28 =	vmov s5;
	v30 =	vor.u32 v36, v26;
	v24 =	vadd.f32 v24, v27  }
0xa9: {  	s29 =	sor.u32 s0, s1;
	v28 =	vand.u32 $0x3F, v28;
	v31 =	vor.u32 v13, v26  }
0xaa: {  	v33 =	vor.u32 v18, v39;
	v28 =	vbroadcast v28, $0x0;
	[tilespmem:s29+$0xF300] =	vst v24  }
0xab: {  	v29 =	vld.idx.msk [tilespmem:v29+s13+$0x0], $0xffff  }
0xac: {  	v34 =	vor.u32 v36, v28;
	v25 =	vadd.f32 v25, v32  }
0xad: {  	v24 =	vld.idx.msk [tilespmem:v30+s9+$0x0], $0xffff;
	v30 =	vor.u32 v13, v28  }
0xae: {  	v35 =	vor.u32 v18, v41;
	v31 =	vld.idx.msk [tilespmem:v31+s13+$0x0], $0xffff;
	[tilespmem:s30+$0xFFFFFFD0] =	vst v25  }
0xaf: {  	v33 =	vld.idx.msk [tilespmem:v33+s13+$0x0], $0xffff  }
0xb0: {  	v29 =	vadd.f32 v29, v27  }
0xb1: {  	v61 =	vor.u32 v17, v26;
	v25 =	vld.idx.msk [tilespmem:v34+s9+$0x0], $0xffff  }
0xb2: {  	s10 =	simm.s32 $0x4;
	v37 =	vor.u32 v19, v39;
	v30 =	vld.idx.msk [tilespmem:v30+s13+$0x0], $0xffff;
	[tilespmem:s29+$0xF310] =	vst v29  }
0xb3: {  	v31 =	vadd.f32 v31, v24;
	v29 =	vmov s10;
	v35 =	vld.idx.msk [tilespmem:v35+s13+$0x0], $0xffff  }
0xb4: {  	s26 =	simm.s32 $0xF440;
	v29 =	vand.u32 $0x3E, v29;
	v33 =	vadd.f32 v33, v32  }
0xb5: {  	[tilespmem:s26+$0xFFFFFFC0] =	vst v31;
	v31 =	vor.u32 v17, v28;
	v29 =	vbroadcast v29, $0x0  }
0xb6: {  	s14 =	simm.s32 $0x180;
	s23 =	simm.s32 $0x100;
	s25 =	simm.s32 $0x5;
	v38 =	vor.u32 v19, v41;
	v34 =	vld.idx.msk [tilespmem:v61+s13+$0x0], $0xffff;
	[tilespmem:s30+$0xFFFFFFE0] =	vst v33  }
0xb7: {  	v62 =	vmov s25;
	s1 =	sand.u32 $0x1C00, s23;
	s0 =	sand.u32 $0x380, s14;
	v30 =	vadd.f32 v30, v25;
	v40 =	vor.u32 v36, v29;
	v37 =	vld.idx.msk [tilespmem:v37+s13+$0x0], $0xffff  }
0xb8: {  	s28 =	sor.u32 s0, s1;
	v33 =	vand.u32 $0x3F, v62;
	v42 =	vor.u32 v13, v29;
	v35 =	vadd.f32 v35, v27  }
0xb9: {  	v43 =	vor.u32 v18, v26;
	v33 =	vbroadcast v33, $0x0;
	[tilespmem:s28+$0xF300] =	vst v30  }
0xba: {  	v63 =	vor.u32 v20, v39;
	v31 =	vld.idx.msk [tilespmem:v31+s13+$0x0], $0xffff;
	[tilespmem:s29+$0xF320] =	vst v35  }
0xbb: {  	v34 =	vadd.f32 v34, v24;
	v44 =	vor.u32 v36, v33;
	v38 =	vld.idx.msk [tilespmem:v38+s13+$0x0], $0xffff  }
0xbc: {  	v48 =	vor.u32 v13, v33;
	v30 =	vld.idx.msk [tilespmem:v40+s9+$0x0], $0xffff;
	v37 =	vadd.f32 v37, v32  }
0xbd: {  	v49 =	vor.u32 v18, v28;
	[tilespmem:s26+$0xFFFFFFD0] =	vst v34;
	v42 =	vld.idx.msk [tilespmem:v42+s13+$0x0], $0xffff  }
0xbe: {  	s5 =	simm.s32 $0x6;
	v43 =	vld.idx.msk [tilespmem:v43+s13+$0x0], $0xffff;
	[tilespmem:s30+$0xFFFFFFF0] =	vst v37  }
0xbf: {  	v50 =	vor.u32 v20, v41;
	v45 =	vmov s5;
	v46 =	vadd.f32 v31, v25;
	v47 =	vld.idx.msk [tilespmem:v63+s13+$0x0], $0xffff  }
0xc0: {  	v51 =	vand.u32 $0x3E, v45;
	v52 =	vor.u32 v17, v29;
	v31 =	vld.idx.msk [tilespmem:v44+s9+$0x0], $0xffff  }
0xc1: {  	v53 =	vor.u32 v19, v26;
	v35 =	vbroadcast v51, $0x0;
	v40 =	vld.idx.msk [tilespmem:v48+s13+$0x0], $0xffff;
	[tilespmem:s28+$0xF310] =	vst v46;
	v38 =	vadd.f32 v38, v27  }
0xc2: {  	v55 =	vor.u32 v21, v39;
	v34 =	vld.idx.msk [tilespmem:v49+s13+$0x0], $0xffff;
	v54 =	vadd.f32 v42, v30  }
0xc3: {  	s31 =	simm.s32 $0xF540;
	v56 =	vor.u32 v36, v35;
	v43 =	vadd.f32 v43, v24;
	[tilespmem:s29+$0xF330] =	vst v38  }
0xc4: {  	v57 =	vor.u32 v17, v33;
	[tilespmem:s31+$0xFFFFFFC0] =	vst v54;
	v37 =	vld.idx.msk [tilespmem:v50+s13+$0x0], $0xffff;
	v47 =	vadd.f32 v47, v32  }
0xc5: {  	s6 =	simm.s32 $0x280;
	s8 =	simm.s32 $0x200;
	v58 =	vor.u32 v19, v28;
	[tilespmem:s26+$0xFFFFFFE0] =	vst v43;
	v44 =	vld.idx.msk [tilespmem:v52+s13+$0x0], $0xffff  }
0xc6: {  	s1 =	sand.u32 $0x1C00, s8;
	s0 =	sand.u32 $0x380, s6;
	s10 =	simm.s32 $0x7;
	v49 =	vor.u32 v13, v35;
	v40 =	vadd.f32 v40, v31;
	v45 =	vld.idx.msk [tilespmem:v53+s13+$0x0], $0xffff;
	[tilespmem:s30+$0x0] =	vst v47  }
0xc7: {  	v59 =	vor.u32 v21, v41;
	s1 =	sor.u32 s0, s1;
	v50 =	vmov s10;
	v48 =	vadd.f32 v34, v25;
	v42 =	vld.idx.msk [tilespmem:v55+s13+$0x0], $0xffff  }
0xc8: {  	v62 =	vor.u32 v18, v29;
	[tilespmem:s1+$0xF300] =	vst v40;
	v61 =	vand.u32 $0x3F, v50;
	v34 =	vld.idx.msk [tilespmem:v56+s9+$0x0], $0xffff  }
0xc9: {  	v63 =	vld.idx.msk [tilespmem:v57+s13+$0x0], $0xffff;
	v56 =	vor.u32 v20, v26;
	[tilespmem:s28+$0xF320] =	vst v48;
	v60 =	vadd.f32 v37, v27;
	v37 =	vbroadcast v61, $0x0  }
0xca: {  	s14 =	simm.s32 $0x8;
	v43 =	vld.idx.msk [tilespmem:v58+s13+$0x0], $0xffff;
	v57 =	vadd.f32 v44, v30;
	v58 =	vor.u32 v22, v39  }
0xcb: {  	v51 =	vmov s14;
	v49 =	vld.idx.msk [tilespmem:v49+s13+$0x0], $0xffff;
	v45 =	vadd.f32 v45, v24;
	[tilespmem:s29+$0xF340] =	vst v60;
	v60 =	vor.u32 v36, v37  }
0xcc: {  	v61 =	vand.u32 $0x3E, v51;
	v52 =	vor.u32 v13, v37;
	[tilespmem:s31+$0xFFFFFFD0] =	vst v57;
	v59 =	vld.idx.msk [tilespmem:v59+s13+$0x0], $0xffff;
	v42 =	vadd.f32 v42, v32  }
0xcd: {  	v38 =	vbroadcast v61, $0x0;
	[tilespmem:s26+$0xFFFFFFF0] =	vst v45;
	v46 =	vld.idx.msk [tilespmem:v62+s13+$0x0], $0xffff;
	v62 =	vor.u32 v18, v33  }
0xce: {  	v48 =	vor.u32 v20, v28;
	v45 =	vld.idx.msk [tilespmem:v56+s13+$0x0], $0xffff;
	[tilespmem:s30+$0x10] =	vst v42  }
0xcf: {  	v63 =	vadd.f32 v63, v31;
	v54 =	vor.u32 v36, v38;
	v50 =	vld.idx.msk [tilespmem:v58+s13+$0x0], $0xffff  }
0xd0: {  	v53 =	vor.u32 v22, v41;
	v43 =	vadd.f32 v43, v25;
	v40 =	vld.idx.msk [tilespmem:v60+s9+$0x0], $0xffff  }
0xd1: {  	[tilespmem:s1+$0xF310] =	vst v63;
	v58 =	vor.u32 v17, v35;
	v57 =	vadd.f32 v59, v27;
	v59 =	vld.idx.msk [tilespmem:v52+s13+$0x0], $0xffff  }
0xd2: {  	[tilespmem:s28+$0xF330] =	vst v43;
	v60 =	vor.u32 v19, v29;
	v51 =	vld.idx.msk [tilespmem:v62+s13+$0x0], $0xffff  }
0xd3: {  	v61 =	vadd.f32 v49, v34;
	v62 =	vor.u32 v21, v26;
	v48 =	vld.idx.msk [tilespmem:v48+s13+$0x0], $0xffff  }
0xd4: {  	s0 =	simm.s32 $0xF640;
	v63 =	vor.u32 v23, v39;
	v46 =	vadd.f32 v46, v30;
	v39 =	vld.idx.msk [tilespmem:v54+s9+$0x0], $0xffff;
	[tilespmem:s29+$0xF350] =	vst v57  }
0xd5: {  	[tilespmem:s0+$0xFFFFFFC0] =	vst v61;
	v45 =	vadd.f32 v45, v24;
	v57 =	vor.u32 v17, v37;
	v53 =	vld.idx.msk [tilespmem:v53+s13+$0x0], $0xffff  }
0xd6: {  	s23 =	simm.s32 $0x300;
	s6 =	simm.s32 $0x380;
	v55 =	vor.u32 v19, v33;
	[tilespmem:s31+$0xFFFFFFE0] =	vst v46;
	v54 =	vld.idx.msk [tilespmem:v58+s13+$0x0], $0xffff;
	v58 =	vadd.f32 v50, v32  }
0xd7: {  	s8 =	sand.u32 $0x380, s6;
	s5 =	sand.u32 $0x1C00, s23;
	[tilespmem:s26+$0x0] =	vst v45;
	v47 =	vld.idx.msk [tilespmem:v60+s13+$0x0], $0xffff;
	v60 =	vor.u32 v21, v28;
	v59 =	vadd.f32 v59, v40  }
0xd8: {  	s25 =	simm.s32 $0x9;
	s5 =	sor.u32 s8, s5;
	v44 =	vor.u32 v23, v41;
	v51 =	vadd.f32 v51, v31;
	v45 =	vld.idx.msk [tilespmem:v62+s13+$0x0], $0xffff;
	[tilespmem:s30+$0x20] =	vst v58  }
0xd9: {  	v52 =	vor.u32 v13, v38;
	v61 =	vadd.f32 v48, v25;
	v62 =	vmov s25;
	v46 =	vld.idx.msk [tilespmem:v63+s13+$0x0], $0xffff;
	[tilespmem:s5+$0xF300] =	vst v59  }
0xda: {  	v63 =	vand.u32 $0x3F, v62;
	[tilespmem:s1+$0xF320] =	vst v51;
	v51 =	vor.u32 v18, v35;
	v50 =	vld.idx.msk [tilespmem:v57+s13+$0x0], $0xffff;
	v56 =	vadd.f32 v53, v27  }
0xdb: {  	v48 =	vor.u32 v20, v29;
	[tilespmem:s28+$0xF340] =	vst v61;
	v41 =	vbroadcast v63, $0x0;
	v49 =	vld.idx.msk [tilespmem:v55+s13+$0x0], $0xffff  }
0xdc: {  	s8 =	simm.s32 $0xA;
	v42 =	vor.u32 v22, v26;
	s25 =	sshll.u32 s24, $0x1;
	v53 =	vadd.f32 v54, v34;
	v43 =	vld.idx.msk [tilespmem:v60+s13+$0x0], $0xffff;
	[tilespmem:s29+$0xF360] =	vst v56  }
.LBB2_3:
0xdd: {  	p0 =	slt.u32 s8, $0x3E;
	v54 =	vor.u32 v36, v41;
	v47 =	vadd.f32 v47, v30;
	v44 =	vld.idx.msk [tilespmem:v44+s13+$0x0], $0xffff  }
0xde: {  	v55 =	vmov s8;
	v56 =	vor.u32 v13, v41;
	v45 =	vadd.f32 v45, v24;
	v52 =	vld.idx.msk [tilespmem:v52+s13+$0x0], $0xffff;
	[tilespmem:s0+$0xFFFFFFD0] =	vst v53  }
0xdf: {  	v53 =	vand.u32 $0x3E, v55;
	v55 =	vor.u32 v18, v37;
	v57 =	vadd.f32 v46, v32;
	v51 =	vld.idx.msk [tilespmem:v51+s13+$0x0], $0xffff;
	[tilespmem:s31+$0xFFFFFFF0] =	vst v47  }
0xe0: {  	v46 =	vbroadcast v53, $0x0;
	v47 =	vadd.f32 v50, v40;
	v50 =	vor.u32 v20, v33;
	v48 =	vld.idx.msk [tilespmem:v48+s13+$0x0], $0xffff;
	[tilespmem:s26+$0x10] =	vst v45  }
0xe1: {  	v32 =	vmov v24;
	v45 =	vadd.f32 v49, v31;
	v49 =	vor.u32 v22, v28;
	v42 =	vld.idx.msk [tilespmem:v42+s13+$0x0], $0xffff;
	[tilespmem:s30+$0x30] =	vst v57;
	s30 =	smov.u32 s26;
	s26 =	smov.u32 s31;
	s31 =	smov.u32 s0  }
0xe2: {  	v24 =	vmov v30;
	v53 =	vor.u32 v36, v46;
	v43 =	vadd.f32 v43, v25;
	v54 =	vld.idx.msk [tilespmem:v54+s9+$0x0], $0xffff;
	[tilespmem:s5+$0xF310] =	vst v47  }
0xe3: {  	v47 =	vor.u32 v17, v38;
	v44 =	vadd.f32 v44, v27;
	v27 =	vmov v25;
	v56 =	vld.idx.msk [tilespmem:v56+s13+$0x0], $0xffff;
	[tilespmem:s1+$0xF330] =	vst v45  }
0xe4: {  	v30 =	vmovc v34;
	v25 =	vmov v31;
	v31 =	vmov v40;
	v45 =	vor.u32 v19, v35;
	v55 =	vld.idx.msk [tilespmem:v55+s13+$0x0], $0xffff;
	[tilespmem:s28+$0xF350] =	vst v43  }
0xe5: {  	v34 =	vmov v39;
	v40 =	vadd.f32 v52, v39;
	v43 =	vor.u32 v21, v29;
	v50 =	vld.idx.msk [tilespmem:v50+s13+$0x0], $0xffff;
	[tilespmem:s29+$0xF370] =	vst v44;
	s29 =	smov.u32 s28;
	s28 =	smov.u32 s1;
	s1 =	smov.u32 s5  }
0xe6: {  	s0 =	sadd.s32 $0x100, s0;
	v44 =	vadd.f32 v51, v30;
	v51 =	vor.u32 v23, v26;
	v26 =	vmovc v29;
	v29 =	vmov v35;
	v49 =	vld.idx.msk [tilespmem:v49+s13+$0x0], $0xffff  }
0xe7: {  	s6 =	sadd.s32 $0x100, s6;
	v48 =	vadd.f32 v48, v24;
	v35 =	vmov v38;
	v39 =	vld.idx.msk [tilespmem:v53+s9+$0x0], $0xffff;
	[tilespmem:s0+$0xFFFFFFC0] =	vst v40;
	v53 =	vor.u32 v17, v41  }
0xe8: {  	v58 =	vor.u32 v19, v37;
	s5 =	sadd.s32 $0xFFFFFF80, s6;
	v38 =	vmov v46;
	v42 =	vadd.f32 v42, v32;
	v57 =	vld.idx.msk [tilespmem:v47+s13+$0x0], $0xffff;
	[tilespmem:s31+$0xFFFFFFE0] =	vst v44  }
0xe9: {  	s10 =	sand.u32 $0x380, s6;
	s5 =	sand.u32 $0x1C00, s5;
	v40 =	vmov v54;
	v46 =	vadd.f32 v56, v54;
	v56 =	vor.u32 v21, v33;
	v47 =	vld.idx.msk [tilespmem:v45+s13+$0x0], $0xffff;
	[tilespmem:s26+$0x0] =	vst v48  }
.Ltmp2:
0xea: {  	s23 =	sadd.s32 $0x1, s8;
	s5 =	sor.u32 s10, s5;
	v44 =	vor.u32 v23, v28;
	v28 =	vmov v33;
	v48 =	vadd.f32 v55, v31;
	v45 =	vld.idx.msk [tilespmem:v43+s13+$0x0], $0xffff;
	[tilespmem:s30+$0x20] =	vst v42;
	(pc) =	sbr.rel @p0 .LBB2_3-.Ltmp2, $4  }
0xeb: {  	v52 =	vor.u32 v13, v38;
	v33 =	vmovc v37;
	v42 =	vmov s23;
	v43 =	vadd.f32 v50, v25;
	[tilespmem:s5+$0xF300] =	vst v46;
	v46 =	vld.idx.msk [tilespmem:v51+s13+$0x0], $0xffff  }
0xec: {  	v42 =	vand.u32 $0x3F, v42;
	v51 =	vor.u32 v18, v35;
	v54 =	vadd.f32 v49, v27;
	v50 =	vld.idx.msk [tilespmem:v53+s13+$0x0], $0xffff;
	[tilespmem:s1+$0xF320] =	vst v48  }
0xed: {  	v37 =	vmov v41;
	v48 =	vor.u32 v20, v29;
	v41 =	vbroadcast v42, $0x0;
	v49 =	vld.idx.msk [tilespmem:v58+s13+$0x0], $0xffff;
	[tilespmem:s28+$0xF340] =	vst v43  }
0xee: {  	s8 =	sadd.s32 $0x2, s8;
	v42 =	vor.u32 v22, v26;
	v53 =	vadd.f32 v57, v34;
	v43 =	vld.idx.msk [tilespmem:v56+s13+$0x0], $0xffff;
	[tilespmem:s29+$0xF360] =	vst v54  }
0xef: {  	v36 =	vor.u32 v36, v41  }
0xf0: {  	v54 =	vor.u32 v13, v41;
	_ =	sdelay $0x2  }
0xf1: {  	v52 =	vld.idx.msk [tilespmem:v52+s13+$0x0], $0xffff  }
0xf2: {  	v36 =	vld.idx.msk [tilespmem:v36+s9+$0x0], $0xffff  }
0xf3: {  	v54 =	vld.idx.msk [tilespmem:v54+s13+$0x0], $0xffff;
	_ =	sdelay $0x1  }
0xf4: {  	v55 =	vor.u32 v17, v38  }
0xf5: {  	v56 =	vor.u32 v17, v41;
	s8 =	sadd.s32 $0x100, s6  }
0xf6: {  	s10 =	sadd.s32 $0xFFFFFF80, s8;
	v52 =	vadd.f32 v52, v39  }
0xf7: {  	s23 =	sadd.s32 $0x100, s0;
	s8 =	sand.u32 $0x380, s8;
	s10 =	sand.u32 $0x1C00, s10;
	v54 =	vadd.f32 v54, v36  }
0xf8: {  	s8 =	sor.u32 s8, s10;
	[tilespmem:s23+$0xFFFFFFC0] =	vst v52  }
0xf9: {  	v52 =	vld.idx.msk [tilespmem:v55+s13+$0x0], $0xffff;
	[tilespmem:s8+$0xF300] =	vst v54  }
0xfa: {  	v54 =	vld.idx.msk [tilespmem:v56+s13+$0x0], $0xffff  }
0xfb: {  	v60 =	vor.u32 v18, v37  }
0xfc: {  	v61 =	vor.u32 v18, v38  }
0xfd: {  	v57 =	vor.u32 v18, v41;
	v50 =	vadd.f32 v50, v40  }
0xfe: {  	[tilespmem:s0+$0xFFFFFFD0] =	vst v53;
	v52 =	vadd.f32 v52, v39  }
0xff: {  	v51 =	vld.idx.msk [tilespmem:v51+s13+$0x0], $0xffff;
	[tilespmem:s5+$0xF310] =	vst v50;
	v62 =	vadd.f32 v54, v36  }
0x100: {  	v63 =	vld.idx.msk [tilespmem:v60+s13+$0x0], $0xffff;
	[tilespmem:s23+$0xFFFFFFD0] =	vst v52  }
0x101: {  	v52 =	vld.idx.msk [tilespmem:v61+s13+$0x0], $0xffff;
	[tilespmem:s8+$0xF310] =	vst v62  }
0x102: {  	v50 =	vor.u32 v19, v35;
	v60 =	vld.idx.msk [tilespmem:v57+s13+$0x0], $0xffff  }
0x103: {  	v61 =	vor.u32 v19, v37  }
0x104: {  	v51 =	vadd.f32 v51, v34;
	v62 =	vor.u32 v19, v38  }
0x105: {  	v53 =	vadd.f32 v63, v40;
	v63 =	vor.u32 v19, v41  }
0x106: {  	[tilespmem:s0+$0xFFFFFFE0] =	vst v51;
	v58 =	vadd.f32 v52, v39  }
0x107: {  	v50 =	vld.idx.msk [tilespmem:v50+s13+$0x0], $0xffff;
	[tilespmem:s5+$0xF320] =	vst v53;
	v59 =	vadd.f32 v60, v36  }
0x108: {  	v53 =	vld.idx.msk [tilespmem:v61+s13+$0x0], $0xffff;
	[tilespmem:s23+$0xFFFFFFE0] =	vst v58  }
0x109: {  	v51 =	vor.u32 v20, v33;
	v54 =	vld.idx.msk [tilespmem:v62+s13+$0x0], $0xffff;
	[tilespmem:s8+$0xF320] =	vst v59  }
0x10a: {  	v47 =	vadd.f32 v47, v30;
	v60 =	vor.u32 v20, v35;
	v61 =	vld.idx.msk [tilespmem:v63+s13+$0x0], $0xffff  }
0x10b: {  	v49 =	vadd.f32 v49, v31;
	v62 =	vor.u32 v20, v37  }
0x10c: {  	[tilespmem:s31+$0xFFFFFFF0] =	vst v47;
	v63 =	vadd.f32 v50, v34;
	v50 =	vor.u32 v20, v38  }
0x10d: {  	v48 =	vld.idx.msk [tilespmem:v48+s13+$0x0], $0xffff;
	[tilespmem:s1+$0xF330] =	vst v49;
	v57 =	vadd.f32 v53, v40;
	v53 =	vor.u32 v20, v41  }
0x10e: {  	v47 =	vld.idx.msk [tilespmem:v51+s13+$0x0], $0xffff;
	v58 =	vadd.f32 v54, v39;
	[tilespmem:s0+$0xFFFFFFF0] =	vst v63  }
0x10f: {  	[tilespmem:s5+$0xF330] =	vst v57;
	v59 =	vld.idx.msk [tilespmem:v60+s13+$0x0], $0xffff;
	v60 =	vadd.f32 v61, v36  }
0x110: {  	v45 =	vadd.f32 v45, v24;
	v62 =	vld.idx.msk [tilespmem:v62+s13+$0x0], $0xffff;
	[tilespmem:s23+$0xFFFFFFF0] =	vst v58;
	v61 =	vor.u32 v21, v29  }
0x111: {  	v32 =	vadd.f32 v46, v32;
	v63 =	vor.u32 v21, v33;
	v50 =	vld.idx.msk [tilespmem:v50+s13+$0x0], $0xffff;
	[tilespmem:s8+$0xF330] =	vst v60  }
0x112: {  	[tilespmem:s26+$0x10] =	vst v45;
	v56 =	vadd.f32 v48, v30;
	v57 =	vor.u32 v21, v35;
	v52 =	vld.idx.msk [tilespmem:v53+s13+$0x0], $0xffff  }
0x113: {  	[tilespmem:s30+$0x30] =	vst v32;
	v58 =	vadd.f32 v47, v31;
	v47 =	vor.u32 v21, v37  }
0x114: {  	v44 =	vld.idx.msk [tilespmem:v44+s13+$0x0], $0xffff;
	[tilespmem:s31+$0x0] =	vst v56;
	v60 =	vor.u32 v21, v38;
	v59 =	vadd.f32 v59, v34  }
0x115: {  	[tilespmem:s1+$0xF340] =	vst v58;
	v51 =	vld.idx.msk [tilespmem:v61+s13+$0x0], $0xffff;
	v61 =	vadd.f32 v62, v40;
	v62 =	vor.u32 v21, v41  }
0x116: {  	v46 =	vld.idx.msk [tilespmem:v63+s13+$0x0], $0xffff;
	[tilespmem:s0+$0x0] =	vst v59;
	v63 =	vadd.f32 v50, v39  }
0x117: {  	v56 =	vor.u32 v22, v28;
	v48 =	vld.idx.msk [tilespmem:v57+s13+$0x0], $0xffff;
	[tilespmem:s5+$0xF340] =	vst v61;
	v57 =	vadd.f32 v52, v36  }
0x118: {  	v43 =	vadd.f32 v43, v25;
	v58 =	vor.u32 v22, v29;
	[tilespmem:s23+$0x0] =	vst v63;
	v47 =	vld.idx.msk [tilespmem:v47+s13+$0x0], $0xffff  }
0x119: {  	v27 =	vadd.f32 v44, v27;
	v59 =	vor.u32 v22, v33;
	v45 =	vld.idx.msk [tilespmem:v60+s13+$0x0], $0xffff;
	[tilespmem:s8+$0xF340] =	vst v57  }
0x11a: {  	[tilespmem:s28+$0xF350] =	vst v43;
	v61 =	vor.u32 v22, v35;
	v60 =	vadd.f32 v51, v30;
	v62 =	vld.idx.msk [tilespmem:v62+s13+$0x0], $0xffff  }
0x11b: {  	v42 =	vld.idx.msk [tilespmem:v42+s13+$0x0], $0xffff;
	[tilespmem:s29+$0xF370] =	vst v27;
	v27 =	vadd.f32 v46, v31;
	v63 =	vor.u32 v22, v37  }
0x11c: {  	v55 =	vor.u32 v22, v38;
	v50 =	vld.idx.msk [tilespmem:v56+s13+$0x0], $0xffff;
	v54 =	vadd.f32 v48, v34;
	[tilespmem:s31+$0x10] =	vst v60  }
0x11d: {  	[tilespmem:s1+$0xF350] =	vst v27;
	v57 =	vor.u32 v22, v41;
	v56 =	vld.idx.msk [tilespmem:v58+s13+$0x0], $0xffff;
	v27 =	vadd.f32 v47, v40  }
0x11e: {  	v26 =	vor.u32 v23, v26;
	v44 =	vld.idx.msk [tilespmem:v59+s13+$0x0], $0xffff;
	[tilespmem:s0+$0x10] =	vst v54;
	v58 =	vadd.f32 v45, v39  }
0x11f: {  	v28 =	vor.u32 v23, v28;
	v43 =	vld.idx.msk [tilespmem:v61+s13+$0x0], $0xffff;
	[tilespmem:s5+$0xF350] =	vst v27;
	v27 =	vadd.f32 v62, v36  }
0x120: {  	v42 =	vadd.f32 v42, v24;
	v29 =	vor.u32 v23, v29;
	[tilespmem:s23+$0x10] =	vst v58;
	v59 =	vld.idx.msk [tilespmem:v63+s13+$0x0], $0xffff  }
0x121: {  	v60 =	vadd.f32 v50, v25;
	v61 =	vor.u32 v23, v33;
	v62 =	vld.idx.msk [tilespmem:v55+s13+$0x0], $0xffff;
	[tilespmem:s8+$0xF350] =	vst v27  }
0x122: {  	[tilespmem:s26+$0x20] =	vst v42;
	v63 =	vor.u32 v23, v35;
	v27 =	vadd.f32 v56, v30;
	v48 =	vld.idx.msk [tilespmem:v57+s13+$0x0], $0xffff  }
0x123: {  	v26 =	vld.idx.msk [tilespmem:v26+s13+$0x0], $0xffff;
	v50 =	vor.u32 v23, v37;
	[tilespmem:s28+$0xF360] =	vst v60;
	v49 =	vadd.f32 v44, v31  }
0x124: {  	v51 =	vor.u32 v23, v38;
	v28 =	vld.idx.msk [tilespmem:v28+s13+$0x0], $0xffff;
	[tilespmem:s31+$0x20] =	vst v27;
	v27 =	vadd.f32 v43, v34  }
0x125: {  	v53 =	vor.u32 v23, v41;
	[tilespmem:s1+$0xF360] =	vst v49;
	v29 =	vld.idx.msk [tilespmem:v29+s13+$0x0], $0xffff;
	v52 =	vadd.f32 v59, v40  }
0x126: {  	v33 =	vld.idx.msk [tilespmem:v61+s13+$0x0], $0xffff;
	[tilespmem:s0+$0x20] =	vst v27;
	v27 =	vadd.f32 v62, v39  }
0x127: {  	v35 =	vld.idx.msk [tilespmem:v63+s13+$0x0], $0xffff;
	[tilespmem:s5+$0xF360] =	vst v52;
	v54 =	vadd.f32 v48, v36  }
0x128: {  	v24 =	vadd.f32 v26, v24;
	v26 =	vld.idx.msk [tilespmem:v50+s13+$0x0], $0xffff;
	[tilespmem:s23+$0x20] =	vst v27  }
0x129: {  	v25 =	vadd.f32 v28, v25;
	v27 =	vld.idx.msk [tilespmem:v51+s13+$0x0], $0xffff;
	[tilespmem:s8+$0xF360] =	vst v54  }
0x12a: {  	[tilespmem:s26+$0x30] =	vst v24;
	v24 =	vadd.f32 v29, v30;
	v28 =	vld.idx.msk [tilespmem:v53+s13+$0x0], $0xffff  }
0x12b: {  	[tilespmem:s28+$0xF370] =	vst v25;
	v25 =	vadd.f32 v33, v31  }
0x12c: {  	s26 =	simm.s32 $0x0;
	[tilespmem:s31+$0x30] =	vst v24;
	v24 =	vadd.f32 v35, v34  }
0x12d: {  	[tilespmem:s1+$0xF370] =	vst v25;
	v25 =	vadd.f32 v26, v40;
	v26 =	vmov s26  }
0x12e: {  	s10 =	sshll.u32 s24, $0x13;
	s26 =	sor.u32 $0x1, s25;
	[tilespmem:s0+$0x30] =	vst v24;
	v24 =	vadd.f32 v27, v39;
	v26 =	vand.u32 $0x3E, v26  }
0x12f: {  	s0 =	sor.u32 s7, s10;
	s14 =	sshll.u32 s26, $0x6;
	[tilespmem:s5+$0xF370] =	vst v25;
	v39 =	vbroadcast v26, $0x0;
	v25 =	vadd.f32 v28, v36  }
0x130: {  	s0 =	sshrl.u32 s0, $0x3;
	[tilespmem:s23+$0x30] =	vst v24;
	v36 =	vmov s14;
	s23 =	simm.s32 $0x1  }
0x131: {  	s0 =	sadd.s32 s2, s0;
	v24 =	vor.u32 v36, v39;
	[tilespmem:s8+$0xF370] =	vst v25;
	v25 =	vmov s23  }
0x132: {  	v26 =	vor.u32 v13, v39;
	[hbm4b:s0+s17] =	stream.strided.scatter [tilespmem:s18], [sflag:$0x3], $0x2000, s12, s17, $0x38;
	v25 =	vand.u32 $0x3F, v25;
	[tilespmem:$0x13300] =	vst v63  }
0x133: {  	_ =	swait.ge [sflag:s19], $0x2000;
	v41 =	vbroadcast v25, $0x0  }
0x134: {  	[sflag:s19] =	ssyncset.done $0x0  }
0x135: {  	[sflag:s19] =	ssyncadd.s32 $0xFFFFE000;
	v25 =	vor.u32 v36, v41  }
0x136: {  	v32 =	vld.idx.msk [tilespmem:v24+s9+$0x0], $0xffff;
	v24 =	vor.u32 v13, v41  }
0x137: {  	v26 =	vld.idx.msk [tilespmem:v26+s15+$0x0], $0xffff;
	_ =	sdelay $0x2  }
0x138: {  	v27 =	vld.idx.msk [tilespmem:v25+s9+$0x0], $0xffff;
	v25 =	vor.u32 v17, v39  }
0x139: {  	s5 =	simm.s32 $0x2;
	v24 =	vld.idx.msk [tilespmem:v24+s15+$0x0], $0xffff  }
0x13a: {  	v28 =	vmov s5;
	v29 =	vadd.f32 v26, v32  }
0x13b: {  	s31 =	simm.s32 $0x11340;
	v26 =	vand.u32 $0x3E, v28  }
0x13c: {  	v26 =	vbroadcast v26, $0x0;
	[tilespmem:s31+$0xFFFFFFC0] =	vst v29;
	v29 =	vor.u32 v17, v41  }
0x13d: {  	s6 =	simm.s32 $0x80;
	s10 =	simm.s32 $0x3;
	s8 =	simm.s32 $0x0;
	v25 =	vld.idx.msk [tilespmem:v25+s15+$0x0], $0xffff  }
0x13e: {  	s1 =	sand.u32 $0x1C00, s8;
	s0 =	sand.u32 $0x380, s6;
	v28 =	vmov s10;
	v30 =	vor.u32 v36, v26;
	v24 =	vadd.f32 v24, v27  }
0x13f: {  	s0 =	sor.u32 s0, s1;
	v28 =	vand.u32 $0x3F, v28;
	v31 =	vor.u32 v13, v26  }
0x140: {  	v55 =	vor.u32 v18, v39;
	v28 =	vbroadcast v28, $0x0;
	[tilespmem:s0+$0x11300] =	vst v24  }
0x141: {  	v29 =	vld.idx.msk [tilespmem:v29+s15+$0x0], $0xffff  }
0x142: {  	v56 =	vor.u32 v36, v28;
	v25 =	vadd.f32 v25, v32  }
0x143: {  	v24 =	vld.idx.msk [tilespmem:v30+s9+$0x0], $0xffff;
	v30 =	vor.u32 v13, v28  }
0x144: {  	v57 =	vor.u32 v18, v41;
	v31 =	vld.idx.msk [tilespmem:v31+s15+$0x0], $0xffff;
	[tilespmem:s31+$0xFFFFFFD0] =	vst v25  }
0x145: {  	v33 =	vld.idx.msk [tilespmem:v55+s15+$0x0], $0xffff  }
0x146: {  	v29 =	vadd.f32 v29, v27  }
0x147: {  	s30 =	sadd.s32 $0x11300, s0;
	v58 =	vor.u32 v17, v26;
	v25 =	vld.idx.msk [tilespmem:v56+s9+$0x0], $0xffff  }
0x148: {  	s14 =	simm.s32 $0x4;
	v59 =	vor.u32 v19, v39;
	v30 =	vld.idx.msk [tilespmem:v30+s15+$0x0], $0xffff;
	[tilespmem:s30+$0x10] =	vst v29  }
0x149: {  	v31 =	vadd.f32 v31, v24;
	v29 =	vmov s14;
	v35 =	vld.idx.msk [tilespmem:v57+s15+$0x0], $0xffff  }
0x14a: {  	s28 =	simm.s32 $0x11440;
	v29 =	vand.u32 $0x3E, v29;
	v33 =	vadd.f32 v33, v32  }
0x14b: {  	[tilespmem:s28+$0xFFFFFFC0] =	vst v31;
	v31 =	vor.u32 v17, v28;
	v29 =	vbroadcast v29, $0x0  }
0x14c: {  	s5 =	simm.s32 $0x100;
	s23 =	simm.s32 $0x180;
	v60 =	vor.u32 v19, v41;
	v34 =	vld.idx.msk [tilespmem:v58+s15+$0x0], $0xffff;
	[tilespmem:s31+$0xFFFFFFE0] =	vst v33  }
0x14d: {  	s6 =	simm.s32 $0x5;
	s1 =	sand.u32 $0x1C00, s5;
	s0 =	sand.u32 $0x380, s23;
	v30 =	vadd.f32 v30, v25;
	v61 =	vor.u32 v36, v29;
	v37 =	vld.idx.msk [tilespmem:v59+s15+$0x0], $0xffff  }
0x14e: {  	v62 =	vmov s6;
	s0 =	sor.u32 s0, s1;
	v63 =	vor.u32 v13, v29;
	v35 =	vadd.f32 v35, v27  }
0x14f: {  	v48 =	vor.u32 v18, v26;
	v33 =	vand.u32 $0x3F, v62;
	[tilespmem:s0+$0x11300] =	vst v30  }
0x150: {  	v49 =	vor.u32 v20, v39;
	v33 =	vbroadcast v33, $0x0;
	v31 =	vld.idx.msk [tilespmem:v31+s15+$0x0], $0xffff;
	[tilespmem:s30+$0x20] =	vst v35  }
0x151: {  	v34 =	vadd.f32 v34, v24;
	v38 =	vld.idx.msk [tilespmem:v60+s15+$0x0], $0xffff  }
0x152: {  	v50 =	vor.u32 v36, v33;
	v30 =	vld.idx.msk [tilespmem:v61+s9+$0x0], $0xffff;
	v37 =	vadd.f32 v37, v32  }
0x153: {  	v51 =	vor.u32 v13, v33;
	[tilespmem:s28+$0xFFFFFFD0] =	vst v34;
	v42 =	vld.idx.msk [tilespmem:v63+s15+$0x0], $0xffff  }
0x154: {  	s8 =	simm.s32 $0x6;
	v52 =	vor.u32 v18, v28;
	v43 =	vld.idx.msk [tilespmem:v48+s15+$0x0], $0xffff;
	[tilespmem:s31+$0xFFFFFFF0] =	vst v37  }
0x155: {  	v54 =	vmov s8;
	v53 =	vor.u32 v20, v41;
	v56 =	vld.idx.msk [tilespmem:v49+s15+$0x0], $0xffff  }
0x156: {  	v57 =	vand.u32 $0x3E, v54;
	v58 =	vor.u32 v17, v29;
	v55 =	vadd.f32 v31, v25  }
0x157: {  	s29 =	sadd.s32 $0x11300, s0;
	v59 =	vor.u32 v19, v26;
	v35 =	vbroadcast v57, $0x0;
	v31 =	vld.idx.msk [tilespmem:v50+s9+$0x0], $0xffff;
	v38 =	vadd.f32 v38, v27  }
0x158: {  	v61 =	vor.u32 v21, v39;
	v40 =	vld.idx.msk [tilespmem:v51+s15+$0x0], $0xffff;
	[tilespmem:s29+$0x10] =	vst v55;
	v60 =	vadd.f32 v42, v30  }
0x159: {  	s1 =	simm.s32 $0x11540;
	v62 =	vor.u32 v36, v35;
	v34 =	vld.idx.msk [tilespmem:v52+s15+$0x0], $0xffff;
	v43 =	vadd.f32 v43, v24;
	[tilespmem:s30+$0x30] =	vst v38  }
0x15a: {  	v55 =	vor.u32 v13, v35;
	[tilespmem:s1+$0xFFFFFFC0] =	vst v60;
	v37 =	vld.idx.msk [tilespmem:v53+s15+$0x0], $0xffff;
	v47 =	vadd.f32 v56, v32  }
0x15b: {  	v63 =	vor.u32 v17, v33;
	[tilespmem:s28+$0xFFFFFFE0] =	vst v43;
	v44 =	vld.idx.msk [tilespmem:v58+s15+$0x0], $0xffff  }
0x15c: {  	s10 =	simm.s32 $0x280;
	s23 =	simm.s32 $0x7;
	s14 =	simm.s32 $0x200;
	v52 =	vor.u32 v19, v28;
	v45 =	vld.idx.msk [tilespmem:v59+s15+$0x0], $0xffff;
	[tilespmem:s31+$0x0] =	vst v47  }
0x15d: {  	s5 =	sand.u32 $0x1C00, s14;
	s0 =	sand.u32 $0x380, s10;
	v40 =	vadd.f32 v40, v31;
	v53 =	vor.u32 v21, v41;
	v59 =	vmov s23;
	v42 =	vld.idx.msk [tilespmem:v61+s15+$0x0], $0xffff  }
0x15e: {  	s0 =	sor.u32 s0, s5;
	v54 =	vadd.f32 v34, v25;
	v34 =	vld.idx.msk [tilespmem:v62+s9+$0x0], $0xffff;
	v62 =	vor.u32 v18, v29;
	v61 =	vand.u32 $0x3F, v59  }
0x15f: {  	v48 =	vor.u32 v20, v26;
	v49 =	vld.idx.msk [tilespmem:v55+s15+$0x0], $0xffff;
	[tilespmem:s0+$0x11300] =	vst v40;
	v60 =	vadd.f32 v37, v27;
	v37 =	vbroadcast v61, $0x0  }
0x160: {  	s8 =	simm.s32 $0x8;
	v56 =	vor.u32 v22, v39;
	v50 =	vld.idx.msk [tilespmem:v63+s15+$0x0], $0xffff;
	[tilespmem:s29+$0x20] =	vst v54;
	v63 =	vadd.f32 v44, v30  }
0x161: {  	v59 =	vmov s8;
	v43 =	vld.idx.msk [tilespmem:v52+s15+$0x0], $0xffff;
	v45 =	vadd.f32 v45, v24;
	[tilespmem:s30+$0x40] =	vst v60;
	v58 =	vor.u32 v36, v37  }
0x162: {  	v61 =	vand.u32 $0x3E, v59;
	v60 =	vor.u32 v13, v37;
	[tilespmem:s1+$0xFFFFFFD0] =	vst v63;
	v57 =	vld.idx.msk [tilespmem:v53+s15+$0x0], $0xffff;
	v42 =	vadd.f32 v42, v32  }
0x163: {  	v38 =	vbroadcast v61, $0x0;
	[tilespmem:s28+$0xFFFFFFF0] =	vst v45;
	v46 =	vld.idx.msk [tilespmem:v62+s15+$0x0], $0xffff;
	v62 =	vor.u32 v18, v33  }
0x164: {  	v45 =	vld.idx.msk [tilespmem:v48+s15+$0x0], $0xffff;
	v48 =	vor.u32 v20, v28;
	[tilespmem:s31+$0x10] =	vst v42  }
0x165: {  	v63 =	vadd.f32 v50, v31;
	v54 =	vor.u32 v36, v38;
	v50 =	vld.idx.msk [tilespmem:v56+s15+$0x0], $0xffff  }
0x166: {  	s0 =	sadd.s32 $0x11300, s0;
	v53 =	vor.u32 v22, v41;
	v43 =	vadd.f32 v43, v25;
	v40 =	vld.idx.msk [tilespmem:v58+s9+$0x0], $0xffff  }
0x167: {  	[tilespmem:s0+$0x10] =	vst v63;
	v58 =	vor.u32 v17, v35;
	v59 =	vld.idx.msk [tilespmem:v60+s15+$0x0], $0xffff  }
0x168: {  	[tilespmem:s29+$0x30] =	vst v43;
	v60 =	vor.u32 v19, v29;
	v57 =	vadd.f32 v57, v27;
	v51 =	vld.idx.msk [tilespmem:v62+s15+$0x0], $0xffff  }
0x169: {  	v61 =	vadd.f32 v49, v34;
	v62 =	vor.u32 v21, v26;
	v48 =	vld.idx.msk [tilespmem:v48+s15+$0x0], $0xffff  }
0x16a: {  	s5 =	simm.s32 $0x11640;
	v63 =	vor.u32 v23, v39;
	v46 =	vadd.f32 v46, v30;
	v39 =	vld.idx.msk [tilespmem:v54+s9+$0x0], $0xffff;
	[tilespmem:s30+$0x50] =	vst v57  }
0x16b: {  	[tilespmem:s5+$0xFFFFFFC0] =	vst v61;
	v45 =	vadd.f32 v45, v24;
	v57 =	vor.u32 v17, v37;
	v53 =	vld.idx.msk [tilespmem:v53+s15+$0x0], $0xffff  }
0x16c: {  	s6 =	simm.s32 $0x380;
	s10 =	simm.s32 $0x300;
	v55 =	vor.u32 v19, v33;
	[tilespmem:s1+$0xFFFFFFE0] =	vst v46;
	v54 =	vld.idx.msk [tilespmem:v58+s15+$0x0], $0xffff;
	v58 =	vadd.f32 v50, v32  }
0x16d: {  	s14 =	sand.u32 $0x380, s6;
	s8 =	sand.u32 $0x1C00, s10;
	v43 =	vor.u32 v21, v28;
	[tilespmem:s28+$0x0] =	vst v45;
	v59 =	vadd.f32 v59, v40;
	v47 =	vld.idx.msk [tilespmem:v60+s15+$0x0], $0xffff  }
0x16e: {  	s23 =	simm.s32 $0x9;
	s10 =	sor.u32 s14, s8;
	v44 =	vor.u32 v23, v41;
	v51 =	vadd.f32 v51, v31;
	v45 =	vld.idx.msk [tilespmem:v62+s15+$0x0], $0xffff;
	[tilespmem:s31+$0x20] =	vst v58  }
0x16f: {  	v52 =	vor.u32 v13, v38;
	v61 =	vmov s23;
	v60 =	vadd.f32 v48, v25;
	[tilespmem:s10+$0x11300] =	vst v59;
	v46 =	vld.idx.msk [tilespmem:v63+s15+$0x0], $0xffff  }
0x170: {  	v50 =	vld.idx.msk [tilespmem:v57+s15+$0x0], $0xffff;
	[tilespmem:s0+$0x20] =	vst v51;
	v63 =	vand.u32 $0x3F, v61;
	v51 =	vor.u32 v18, v35;
	v62 =	vadd.f32 v53, v27  }
0x171: {  	v48 =	vor.u32 v20, v29;
	[tilespmem:s29+$0x40] =	vst v60;
	v49 =	vld.idx.msk [tilespmem:v55+s15+$0x0], $0xffff;
	v41 =	vbroadcast v63, $0x0  }
0x172: {  	s8 =	simm.s32 $0xA;
	v42 =	vor.u32 v22, v26;
	v43 =	vld.idx.msk [tilespmem:v43+s15+$0x0], $0xffff;
	v53 =	vadd.f32 v54, v34;
	[tilespmem:s30+$0x60] =	vst v62  }
.LBB2_5:
0x173: {  	p0 =	slt.u32 s8, $0x3E;
	v54 =	vor.u32 v36, v41;
	v47 =	vadd.f32 v47, v30;
	v44 =	vld.idx.msk [tilespmem:v44+s15+$0x0], $0xffff  }
0x174: {  	v55 =	vmov s8;
	v56 =	vor.u32 v13, v41;
	v45 =	vadd.f32 v45, v24;
	v52 =	vld.idx.msk [tilespmem:v52+s15+$0x0], $0xffff;
	[tilespmem:s5+$0xFFFFFFD0] =	vst v53  }
0x175: {  	v53 =	vand.u32 $0x3E, v55;
	v55 =	vor.u32 v18, v37;
	v57 =	vadd.f32 v46, v32;
	v51 =	vld.idx.msk [tilespmem:v51+s15+$0x0], $0xffff;
	[tilespmem:s1+$0xFFFFFFF0] =	vst v47  }
0x176: {  	v46 =	vbroadcast v53, $0x0;
	v47 =	vadd.f32 v50, v40;
	v50 =	vor.u32 v20, v33;
	v48 =	vld.idx.msk [tilespmem:v48+s15+$0x0], $0xffff;
	[tilespmem:s28+$0x10] =	vst v45  }
0x177: {  	s10 =	sadd.s32 $0x11300, s10;
	v32 =	vmov v24;
	v45 =	vadd.f32 v49, v31;
	v49 =	vor.u32 v22, v28;
	v42 =	vld.idx.msk [tilespmem:v42+s15+$0x0], $0xffff;
	[tilespmem:s31+$0x30] =	vst v57;
	s31 =	smov.u32 s28;
	s28 =	smov.u32 s1  }
0x178: {  	v24 =	vmov v30;
	v53 =	vor.u32 v36, v46;
	v43 =	vadd.f32 v43, v25;
	s1 =	smov.u32 s5;
	v54 =	vld.idx.msk [tilespmem:v54+s9+$0x0], $0xffff;
	[tilespmem:s10+$0x10] =	vst v47  }
0x179: {  	v47 =	vor.u32 v17, v38;
	v44 =	vadd.f32 v44, v27;
	v27 =	vmov v25;
	v56 =	vld.idx.msk [tilespmem:v56+s15+$0x0], $0xffff;
	[tilespmem:s0+$0x30] =	vst v45  }
0x17a: {  	v30 =	vmovc v34;
	v25 =	vmov v31;
	v31 =	vmov v40;
	v45 =	vor.u32 v19, v35;
	v55 =	vld.idx.msk [tilespmem:v55+s15+$0x0], $0xffff;
	[tilespmem:s29+$0x50] =	vst v43  }
0x17b: {  	v34 =	vmov v39;
	v40 =	vadd.f32 v52, v39;
	v43 =	vor.u32 v21, v29;
	v50 =	vld.idx.msk [tilespmem:v50+s15+$0x0], $0xffff;
	[tilespmem:s30+$0x70] =	vst v44;
	s30 =	smov.u32 s29;
	s29 =	smov.u32 s0;
	s0 =	smov.u32 s10  }
0x17c: {  	s5 =	sadd.s32 $0x100, s5;
	v44 =	vadd.f32 v51, v30;
	v51 =	vor.u32 v23, v26;
	v26 =	vmovc v29;
	v29 =	vmov v35;
	v49 =	vld.idx.msk [tilespmem:v49+s15+$0x0], $0xffff  }
0x17d: {  	s6 =	sadd.s32 $0x100, s6;
	v48 =	vadd.f32 v48, v24;
	v35 =	vmov v38;
	v39 =	vld.idx.msk [tilespmem:v53+s9+$0x0], $0xffff;
	[tilespmem:s5+$0xFFFFFFC0] =	vst v40;
	v53 =	vor.u32 v17, v41  }
0x17e: {  	v58 =	vor.u32 v19, v37;
	s10 =	sadd.s32 $0xFFFFFF80, s6;
	v38 =	vmov v46;
	v42 =	vadd.f32 v42, v32;
	v57 =	vld.idx.msk [tilespmem:v47+s15+$0x0], $0xffff;
	[tilespmem:s1+$0xFFFFFFE0] =	vst v44  }
0x17f: {  	s23 =	sand.u32 $0x380, s6;
	s10 =	sand.u32 $0x1C00, s10;
	v40 =	vmov v54;
	v46 =	vadd.f32 v56, v54;
	v56 =	vor.u32 v21, v33;
	v47 =	vld.idx.msk [tilespmem:v45+s15+$0x0], $0xffff;
	[tilespmem:s28+$0x0] =	vst v48  }
.Ltmp3:
0x180: {  	s14 =	sadd.s32 $0x1, s8;
	s10 =	sor.u32 s23, s10;
	v44 =	vor.u32 v23, v28;
	v28 =	vmov v33;
	v48 =	vadd.f32 v55, v31;
	v45 =	vld.idx.msk [tilespmem:v43+s15+$0x0], $0xffff;
	[tilespmem:s31+$0x20] =	vst v42;
	(pc) =	sbr.rel @p0 .LBB2_5-.Ltmp3, $4  }
0x181: {  	v52 =	vor.u32 v13, v38;
	v33 =	vmovc v37;
	v42 =	vmov s14;
	v43 =	vadd.f32 v50, v25;
	[tilespmem:s10+$0x11300] =	vst v46;
	v46 =	vld.idx.msk [tilespmem:v51+s15+$0x0], $0xffff  }
0x182: {  	v42 =	vand.u32 $0x3F, v42;
	v51 =	vor.u32 v18, v35;
	v54 =	vadd.f32 v49, v27;
	v50 =	vld.idx.msk [tilespmem:v53+s15+$0x0], $0xffff;
	[tilespmem:s0+$0x20] =	vst v48  }
0x183: {  	v37 =	vmov v41;
	v48 =	vor.u32 v20, v29;
	v41 =	vbroadcast v42, $0x0;
	v49 =	vld.idx.msk [tilespmem:v58+s15+$0x0], $0xffff;
	[tilespmem:s29+$0x40] =	vst v43  }
0x184: {  	s8 =	sadd.s32 $0x2, s8;
	v42 =	vor.u32 v22, v26;
	v53 =	vadd.f32 v57, v34;
	v43 =	vld.idx.msk [tilespmem:v56+s15+$0x0], $0xffff;
	[tilespmem:s30+$0x60] =	vst v54  }
0x185: {  	v36 =	vor.u32 v36, v41  }
0x186: {  	v54 =	vor.u32 v13, v41;
	_ =	sdelay $0x2  }
0x187: {  	v52 =	vld.idx.msk [tilespmem:v52+s15+$0x0], $0xffff  }
0x188: {  	v36 =	vld.idx.msk [tilespmem:v36+s9+$0x0], $0xffff  }
0x189: {  	v54 =	vld.idx.msk [tilespmem:v54+s15+$0x0], $0xffff;
	_ =	sdelay $0x1  }
0x18a: {  	v55 =	vor.u32 v17, v38  }
0x18b: {  	v56 =	vor.u32 v17, v41;
	s8 =	sadd.s32 $0x100, s6  }
0x18c: {  	s14 =	sadd.s32 $0xFFFFFF80, s8;
	v52 =	vadd.f32 v52, v39  }
0x18d: {  	s6 =	sadd.s32 $0x100, s5;
	s8 =	sand.u32 $0x380, s8;
	s14 =	sand.u32 $0x1C00, s14;
	v54 =	vadd.f32 v54, v36  }
0x18e: {  	s14 =	sor.u32 s8, s14;
	[tilespmem:s6+$0xFFFFFFC0] =	vst v52  }
0x18f: {  	v52 =	vld.idx.msk [tilespmem:v55+s15+$0x0], $0xffff;
	[tilespmem:s14+$0x11300] =	vst v54  }
0x190: {  	v54 =	vld.idx.msk [tilespmem:v56+s15+$0x0], $0xffff  }
0x191: {  	v62 =	vor.u32 v18, v37  }
0x192: {  	v63 =	vor.u32 v18, v38  }
0x193: {  	v57 =	vor.u32 v18, v41;
	v50 =	vadd.f32 v50, v40  }
0x194: {  	s10 =	sadd.s32 $0x11300, s10;
	[tilespmem:s5+$0xFFFFFFD0] =	vst v53;
	v52 =	vadd.f32 v52, v39  }
0x195: {  	v51 =	vld.idx.msk [tilespmem:v51+s15+$0x0], $0xffff;
	[tilespmem:s10+$0x10] =	vst v50;
	v60 =	vadd.f32 v54, v36  }
0x196: {  	s23 =	sadd.s32 $0x11300, s14;
	v61 =	vld.idx.msk [tilespmem:v62+s15+$0x0], $0xffff;
	[tilespmem:s6+$0xFFFFFFD0] =	vst v52  }
0x197: {  	v52 =	vld.idx.msk [tilespmem:v63+s15+$0x0], $0xffff;
	[tilespmem:s23+$0x10] =	vst v60  }
0x198: {  	v50 =	vor.u32 v19, v35;
	v62 =	vld.idx.msk [tilespmem:v57+s15+$0x0], $0xffff  }
0x199: {  	v55 =	vor.u32 v19, v37  }
0x19a: {  	v51 =	vadd.f32 v51, v34;
	v63 =	vor.u32 v19, v38  }
0x19b: {  	v53 =	vadd.f32 v61, v40;
	v60 =	vor.u32 v19, v41  }
0x19c: {  	[tilespmem:s5+$0xFFFFFFE0] =	vst v51;
	v61 =	vadd.f32 v52, v39  }
0x19d: {  	v50 =	vld.idx.msk [tilespmem:v50+s15+$0x0], $0xffff;
	[tilespmem:s10+$0x20] =	vst v53;
	v62 =	vadd.f32 v62, v36  }
0x19e: {  	v51 =	vor.u32 v20, v33;
	v53 =	vld.idx.msk [tilespmem:v55+s15+$0x0], $0xffff;
	[tilespmem:s6+$0xFFFFFFE0] =	vst v61  }
0x19f: {  	v47 =	vadd.f32 v47, v30;
	v63 =	vld.idx.msk [tilespmem:v63+s15+$0x0], $0xffff;
	[tilespmem:s23+$0x20] =	vst v62  }
0x1a0: {  	v49 =	vadd.f32 v49, v31;
	v52 =	vor.u32 v20, v35;
	v55 =	vld.idx.msk [tilespmem:v60+s15+$0x0], $0xffff  }
0x1a1: {  	[tilespmem:s1+$0xFFFFFFF0] =	vst v47;
	v60 =	vor.u32 v20, v37  }
0x1a2: {  	v48 =	vld.idx.msk [tilespmem:v48+s15+$0x0], $0xffff;
	[tilespmem:s0+$0x30] =	vst v49;
	v61 =	vadd.f32 v50, v34;
	v50 =	vor.u32 v20, v38  }
0x1a3: {  	v47 =	vld.idx.msk [tilespmem:v51+s15+$0x0], $0xffff;
	v62 =	vadd.f32 v53, v40;
	v53 =	vor.u32 v20, v41  }
0x1a4: {  	[tilespmem:s5+$0xFFFFFFF0] =	vst v61;
	v63 =	vadd.f32 v63, v39  }
0x1a5: {  	v59 =	vor.u32 v21, v29;
	v57 =	vld.idx.msk [tilespmem:v52+s15+$0x0], $0xffff;
	[tilespmem:s10+$0x30] =	vst v62;
	v58 =	vadd.f32 v55, v36  }
0x1a6: {  	v45 =	vadd.f32 v45, v24;
	v61 =	vor.u32 v21, v33;
	[tilespmem:s6+$0xFFFFFFF0] =	vst v63;
	v60 =	vld.idx.msk [tilespmem:v60+s15+$0x0], $0xffff  }
0x1a7: {  	v62 =	vadd.f32 v48, v30;
	v50 =	vld.idx.msk [tilespmem:v50+s15+$0x0], $0xffff;
	[tilespmem:s23+$0x30] =	vst v58  }
0x1a8: {  	[tilespmem:s28+$0x10] =	vst v45;
	v63 =	vor.u32 v21, v35;
	v55 =	vadd.f32 v47, v31;
	v52 =	vld.idx.msk [tilespmem:v53+s15+$0x0], $0xffff  }
0x1a9: {  	v44 =	vld.idx.msk [tilespmem:v44+s15+$0x0], $0xffff;
	v32 =	vadd.f32 v46, v32;
	[tilespmem:s1+$0x0] =	vst v62;
	v47 =	vor.u32 v21, v37  }
0x1aa: {  	v56 =	vadd.f32 v57, v34;
	v57 =	vor.u32 v21, v38;
	v46 =	vld.idx.msk [tilespmem:v59+s15+$0x0], $0xffff;
	[tilespmem:s0+$0x40] =	vst v55  }
0x1ab: {  	[tilespmem:s31+$0x30] =	vst v32;
	v59 =	vor.u32 v21, v41;
	v51 =	vld.idx.msk [tilespmem:v61+s15+$0x0], $0xffff;
	v58 =	vadd.f32 v60, v40  }
0x1ac: {  	v42 =	vld.idx.msk [tilespmem:v42+s15+$0x0], $0xffff;
	[tilespmem:s5+$0x0] =	vst v56;
	v61 =	vor.u32 v22, v28;
	v60 =	vadd.f32 v50, v39  }
0x1ad: {  	v48 =	vld.idx.msk [tilespmem:v63+s15+$0x0], $0xffff;
	v63 =	vor.u32 v22, v29;
	[tilespmem:s10+$0x40] =	vst v58;
	v62 =	vadd.f32 v52, v36  }
0x1ae: {  	v32 =	vor.u32 v22, v33;
	v43 =	vadd.f32 v43, v25;
	[tilespmem:s6+$0x0] =	vst v60;
	v47 =	vld.idx.msk [tilespmem:v47+s15+$0x0], $0xffff  }
0x1af: {  	v27 =	vadd.f32 v44, v27;
	v54 =	vadd.f32 v46, v30;
	v44 =	vld.idx.msk [tilespmem:v57+s15+$0x0], $0xffff;
	[tilespmem:s23+$0x40] =	vst v62  }
0x1b0: {  	[tilespmem:s29+$0x50] =	vst v43;
	v55 =	vor.u32 v22, v35;
	v57 =	vadd.f32 v51, v31;
	v56 =	vld.idx.msk [tilespmem:v59+s15+$0x0], $0xffff  }
0x1b1: {  	[tilespmem:s1+$0x10] =	vst v54;
	v58 =	vor.u32 v22, v37;
	v50 =	vld.idx.msk [tilespmem:v61+s15+$0x0], $0xffff  }
0x1b2: {  	v60 =	vor.u32 v22, v38;
	v61 =	vld.idx.msk [tilespmem:v63+s15+$0x0], $0xffff;
	[tilespmem:s0+$0x50] =	vst v57;
	v59 =	vadd.f32 v48, v34  }
0x1b3: {  	[tilespmem:s30+$0x70] =	vst v27;
	v63 =	vor.u32 v22, v41;
	v32 =	vld.idx.msk [tilespmem:v32+s15+$0x0], $0xffff;
	v62 =	vadd.f32 v47, v40  }
0x1b4: {  	v26 =	vor.u32 v23, v26;
	[tilespmem:s5+$0x10] =	vst v59;
	v52 =	vadd.f32 v44, v39  }
0x1b5: {  	v53 =	vor.u32 v23, v28;
	v54 =	vld.idx.msk [tilespmem:v55+s15+$0x0], $0xffff;
	[tilespmem:s10+$0x50] =	vst v62;
	v55 =	vadd.f32 v56, v36  }
0x1b6: {  	v42 =	vadd.f32 v42, v24;
	v59 =	vor.u32 v23, v33;
	[tilespmem:s6+$0x10] =	vst v52;
	v57 =	vld.idx.msk [tilespmem:v58+s15+$0x0], $0xffff  }
0x1b7: {  	v56 =	vor.u32 v23, v29;
	v58 =	vadd.f32 v50, v25;
	v60 =	vld.idx.msk [tilespmem:v60+s15+$0x0], $0xffff;
	[tilespmem:s23+$0x50] =	vst v55  }
0x1b8: {  	[tilespmem:s28+$0x20] =	vst v42;
	v62 =	vor.u32 v23, v35;
	v32 =	vadd.f32 v32, v31;
	v63 =	vld.idx.msk [tilespmem:v63+s15+$0x0], $0xffff  }
0x1b9: {  	v26 =	vld.idx.msk [tilespmem:v26+s15+$0x0], $0xffff;
	v61 =	vadd.f32 v61, v30;
	v47 =	vor.u32 v23, v37;
	[tilespmem:s29+$0x60] =	vst v58  }
0x1ba: {  	v49 =	vor.u32 v23, v38;
	[tilespmem:s0+$0x60] =	vst v32;
	v28 =	vld.idx.msk [tilespmem:v53+s15+$0x0], $0xffff;
	v48 =	vadd.f32 v54, v34  }
0x1bb: {  	v51 =	vor.u32 v23, v41;
	[tilespmem:s1+$0x20] =	vst v61;
	v33 =	vld.idx.msk [tilespmem:v59+s15+$0x0], $0xffff;
	v50 =	vadd.f32 v57, v40  }
0x1bc: {  	v29 =	vld.idx.msk [tilespmem:v56+s15+$0x0], $0xffff;
	[tilespmem:s5+$0x20] =	vst v48;
	v52 =	vadd.f32 v60, v39  }
0x1bd: {  	v35 =	vld.idx.msk [tilespmem:v62+s15+$0x0], $0xffff;
	[tilespmem:s10+$0x60] =	vst v50;
	v53 =	vadd.f32 v63, v36  }
0x1be: {  	v54 =	vadd.f32 v26, v24;
	[tilespmem:s6+$0x20] =	vst v52;
	v55 =	vld.idx.msk [tilespmem:v47+s15+$0x0], $0xffff  }
0x1bf: {  	v56 =	vadd.f32 v28, v25;
	v27 =	vld.idx.msk [tilespmem:v49+s15+$0x0], $0xffff;
	[tilespmem:s23+$0x60] =	vst v53  }
0x1c0: {  	[tilespmem:s28+$0x30] =	vst v54;
	v59 =	vadd.f32 v33, v31;
	v58 =	vld.idx.msk [tilespmem:v51+s15+$0x0], $0xffff  }
0x1c1: {  	v57 =	vadd.f32 v29, v30;
	[tilespmem:s29+$0x70] =	vst v56  }
0x1c2: {  	[tilespmem:s0+$0x70] =	vst v59;
	v60 =	vadd.f32 v35, v34  }
0x1c3: {  	p0 =	seq.s32 s24, $0x63;
	[tilespmem:s1+$0x30] =	vst v57;
	v61 =	vadd.f32 v55, v40  }
.Ltmp4:
0x1c4: {  	s31 =	sshll.u32 s26, $0x12;
	[tilespmem:s5+$0x30] =	vst v60;
	v62 =	vadd.f32 v27, v39;
	(pc) =	sbr.rel @p0 .LBB2_8-.Ltmp4, $4  }
0x1c5: {  	s0 =	sor.u32 s7, s31;
	[tilespmem:s10+$0x70] =	vst v61;
	v63 =	vadd.f32 v58, v36  }
0x1c6: {  	s0 =	sshrl.u32 s0, $0x3;
	[tilespmem:s6+$0x30] =	vst v62  }
0x1c7: {  	s0 =	sadd.s32 s2, s0;
	[tilespmem:s23+$0x70] =	vst v63  }
0x1c8: {  	[hbm4b:s0+s17] =	stream.strided.scatter [tilespmem:s20], [sflag:$0x4], $0x2000, s12, s17, $0x38;
	[tilespmem:$0x13300] =	vst v63  }
0x1c9: {  	s0 =	sadd.s32 $0x2, s25  }
0x1ca: {  	v24 =	vmov s0;
	s0 =	sshll.u32 s0, $0x3  }
0x1cb: {  	v25 =	vand.u32 $0x78, v24;
	s0 =	sand.u32 $0xFFFFFC00, s0  }
0x1cc: {  	v24 =	vand.u32 $0x6, v24;
	v25 =	vor.u32 s0, v25  }
0x1cd: {  	v24 =	vor.u32 v24, v25  }
0x1ce: {  	v25 =	vadd.s32 v0, v24;
	_ =	sdelay $0x1  }
0x1cf: {  	_ =	swait.ge [sflag:s21], $0x2000  }
0x1d0: {  	[sflag:s21] =	ssyncset.done $0x0  }
0x1d1: {  	[sflag:s21] =	ssyncadd.s32 $0xFFFFE000  }
0x1d2: {  	v25 =	vld.idx.msk [tilespmem:v25+s3+$0x0], $0xffff  }
0x1d3: {  	v26 =	vadd.s32 v1, v24;
	_ =	sdelay $0x3  }
0x1d4: {  	[tilespmem:$0x8000] =	vst v25  }
0x1d5: {  	v25 =	vld.idx.msk [tilespmem:v26+s3+$0x0], $0xffff  }
0x1d6: {  	v51 =	vadd.s32 v2, v24;
	_ =	sdelay $0x3  }
0x1d7: {  	[tilespmem:$0x8010] =	vst v25  }
0x1d8: {  	v25 =	vld.idx.msk [tilespmem:v51+s3+$0x0], $0xffff  }
0x1d9: {  	v52 =	vadd.s32 v3, v24;
	_ =	sdelay $0x3  }
0x1da: {  	[tilespmem:$0x8020] =	vst v25  }
0x1db: {  	v25 =	vld.idx.msk [tilespmem:v52+s3+$0x0], $0xffff  }
0x1dc: {  	v53 =	vadd.s32 v4, v24;
	_ =	sdelay $0x3  }
0x1dd: {  	[tilespmem:$0x8030] =	vst v25  }
0x1de: {  	v25 =	vld.idx.msk [tilespmem:v53+s3+$0x0], $0xffff  }
0x1df: {  	v54 =	vadd.s32 v5, v24;
	_ =	sdelay $0x3  }
0x1e0: {  	[tilespmem:$0x8040] =	vst v25  }
0x1e1: {  	v25 =	vld.idx.msk [tilespmem:v54+s3+$0x0], $0xffff  }
0x1e2: {  	v55 =	vadd.s32 v6, v24;
	_ =	sdelay $0x3  }
0x1e3: {  	[tilespmem:$0x8050] =	vst v25  }
0x1e4: {  	v25 =	vld.idx.msk [tilespmem:v55+s3+$0x0], $0xffff  }
0x1e5: {  	v24 =	vadd.s32 v7, v24;
	_ =	sdelay $0x3  }
0x1e6: {  	[tilespmem:$0x8060] =	vst v25  }
0x1e7: {  	s30 =	sadd.s32 $0x3, s25;
	v24 =	vld.idx.msk [tilespmem:v24+s3+$0x0], $0xffff  }
0x1e8: {  	v56 =	vmov s30;
	s0 =	sshll.u32 s30, $0x3  }
0x1e9: {  	v57 =	vand.u32 $0x78, v56;
	s0 =	sand.u32 $0xFFFFFC00, s0  }
0x1ea: {  	v26 =	vor.u32 s0, v57;
	v25 =	vand.u32 $0x7, v56  }
0x1eb: {  	v25 =	vor.u32 v25, v26  }
0x1ec: {  	v58 =	vadd.s32 v0, v25;
	[tilespmem:$0x8070] =	vst v24  }
0x1ed: {  	[tilespmem:s13], [sflag:$0x1] =	stream.indirect.gather [hbm4b:s4+s11], $0x40, s12, s11, $0xb8;
	[tilespmem:$0x13300] =	vst v63  }
0x1ee: {  	_ =	swait.ge [sflag:s22], $0x2000  }
0x1ef: {  	[sflag:s22] =	ssyncset.done $0x0  }
0x1f0: {  	[sflag:s22] =	ssyncadd.s32 $0xFFFFE000  }
0x1f1: {  	v24 =	vld.idx.msk [tilespmem:v58+s3+$0x0], $0xffff  }
0x1f2: {  	v26 =	vadd.s32 v1, v25;
	_ =	sdelay $0x3  }
0x1f3: {  	[tilespmem:$0x8080] =	vst v24  }
0x1f4: {  	v24 =	vld.idx.msk [tilespmem:v26+s3+$0x0], $0xffff  }
0x1f5: {  	v59 =	vadd.s32 v2, v25;
	_ =	sdelay $0x3  }
0x1f6: {  	[tilespmem:$0x8090] =	vst v24  }
0x1f7: {  	v24 =	vld.idx.msk [tilespmem:v59+s3+$0x0], $0xffff  }
0x1f8: {  	v60 =	vadd.s32 v3, v25;
	_ =	sdelay $0x3  }
0x1f9: {  	[tilespmem:$0x80A0] =	vst v24  }
0x1fa: {  	v24 =	vld.idx.msk [tilespmem:v60+s3+$0x0], $0xffff  }
0x1fb: {  	v61 =	vadd.s32 v4, v25;
	_ =	sdelay $0x3  }
0x1fc: {  	[tilespmem:$0x80B0] =	vst v24  }
0x1fd: {  	v24 =	vld.idx.msk [tilespmem:v61+s3+$0x0], $0xffff  }
0x1fe: {  	v62 =	vadd.s32 v5, v25;
	_ =	sdelay $0x3  }
0x1ff: {  	[tilespmem:$0x80C0] =	vst v24  }
0x200: {  	v24 =	vld.idx.msk [tilespmem:v62+s3+$0x0], $0xffff  }
0x201: {  	v63 =	vadd.s32 v6, v25;
	_ =	sdelay $0x3  }
0x202: {  	[tilespmem:$0x80D0] =	vst v24  }
0x203: {  	v24 =	vld.idx.msk [tilespmem:v63+s3+$0x0], $0xffff  }
0x204: {  	v25 =	vadd.s32 v7, v25;
	_ =	sdelay $0x3  }
0x205: {  	[tilespmem:$0x80E0] =	vst v24  }
0x206: {  	v24 =	vld.idx.msk [tilespmem:v25+s3+$0x0], $0xffff;
	_ =	sdelay $0x1  }
.Ltmp5:
0x207: {  	_ = 	snop;
	(pc) =	sbr.rel .LBB2_2-.Ltmp5, $3  }
0x208: {  	_ =	sdelay $0x1  }
0x209: {  	s31 =	simm.s32 $0x8080;
	s24 =	sadd.s32 $0x1, s24;
	[tilespmem:$0x80F0] =	vst v24  }
0x20a: {  	[tilespmem:s15], [sflag:$0x2] =	stream.indirect.gather [hbm4b:s4+s11], $0x40, s31, s11, $0xb8;
	[tilespmem:$0x13300] =	vst v63  }
.LBB2_9:
0x20b: {  	_ =	sfence.sel $0x180000  }
0x20c: {  	[bflag:$0x0] =	sbarrier.arrive $0xFFFF  }
0x20d: {  	_ =	strace $0x90000047  }
0x20e: {  	s0 =	stileid.u32;
	[bflag:$0x2] =	sbarrier.arrive $0xFFFF  }
0x20f: {  	p0 =	sne.s32 s0, $0x0;
	s0 =	rddreg [dreg:$0x2]  }
0x210: {  	s0 =	sadd.s32 @!p0 $0x100000, s0  }
0x211: {  	[sflag:s0] =	ssyncadd.tile.s32 @!p0 $0x1;
	_ =	shalt  }
.Lfunc_end2:
_tile_overlayer_lowered:
.L_overlay_start_2:
0x212: {  	(tag) =	ssettag $0x2  }
0x213: {  	s0 =	rddreg [dreg:$0x0];
	s2 =	stileid.u32  }
0x214: {  	s1 =	rddreg [dreg:$0x1];
	p0 =	sne.s32 s2, $0x0  }
0x215: {  	s3 =	rddreg [dreg:$0x2];
	[bflag:$0x3] =	sbarrier.arrive $0xFFFF;
	s2 =	simm.s32 @!p0 $0x1C05  }
0x216: {  	[timem:s3], [sflag:s2] =	dma.local @!p0 [hbm:s0], s1  }
0x217: {  	s0 =	simm.s32 @!p0 $0x5  }
0x218: {  	_ =	swait.ge @!p0 [sflag:s0], s1  }
0x219: {  	s1 =	ssub.s32 @!p0 $0x0, s1;
	[sflag:s0] =	ssyncset.done @!p0 $0x0  }
0x21a: {  	[sflag:s0] =	ssyncadd.s32 @!p0 s1  }
0x21b: {  	[bflag:$0x3] =	sbarrier.arrive $0xFFFF  }
0x21c: {  	_ =	shalt  }

</sc_bundles>
